<compile_context>
chip_gen: v7x
topology: tpu7x:2x2x1
jax: 0.10.2.dev20260603
libtpu: 0.0.44.dev20260713+nightly
codegen_flags: <defaults>
</compile_context>

<pallas_src>
import functools

import jax
import jax.numpy as jnp
from jax import lax
from jax.experimental import pallas as pl
from jax.experimental.pallas import tpu as pltpu
from jax.experimental.pallas import tpu_sc as plsc

TOKENS = 8192
N_EMBD = 2048
N_EXPERT = 16
TOKEN_BLOCK = 1024


def _gate_tc_body(x_ref, w_ref, b_ref, out_ref):
    out_ref[...] = lax.dot_general(
        w_ref[...], x_ref[...],
        (((1,), (1,)), ((), ())),
        preferred_element_type=jnp.float32,
    ) + b_ref[...]


def _gate_transposed(inp, W, b):
    return pl.pallas_call(
        _gate_tc_body,
        grid=(TOKENS // TOKEN_BLOCK,),
        in_specs=[
            pl.BlockSpec((TOKEN_BLOCK, N_EMBD), lambda i: (i, 0)),
            pl.BlockSpec((N_EXPERT, N_EMBD), lambda i: (0, 0)),
            pl.BlockSpec((N_EXPERT, 1), lambda i: (0, 0)),
        ],
        out_specs=pl.BlockSpec((N_EXPERT, TOKEN_BLOCK), lambda i: (0, i)),
        out_shape=jax.ShapeDtypeStruct((N_EXPERT, TOKENS), jnp.float32),
    )(inp, W, b.reshape(N_EXPERT, 1))


def _make_sc_router():
    info = plsc.get_sparse_core_info()
    nc, ns, lanes = info.num_cores, info.num_subcores, info.num_lanes
    nw = nc * ns
    rpw = TOKENS // nw
    chunks = rpw // lanes

    mesh = plsc.VectorSubcoreMesh(core_axis_name="c", subcore_axis_name="s")

    @functools.partial(
        pl.kernel,
        mesh=mesh,
        out_type=[
            jax.ShapeDtypeStruct((TOKENS,), jnp.int32),
            jax.ShapeDtypeStruct((TOKENS,), jnp.float32),
        ],
        scratch_types=[
            pltpu.VMEM((N_EXPERT, rpw), jnp.float32),
            pltpu.VMEM((rpw,), jnp.int32),
            pltpu.VMEM((rpw,), jnp.float32),
        ],
    )
    def sc_router(gate_hbm, pk_hbm, s1_hbm, blk_v, pk_v, s1_v):
        wid = lax.axis_index("s") * nc + lax.axis_index("c")
        base = wid * rpw
        pltpu.sync_copy(gate_hbm.at[:, pl.ds(base, rpw)], blk_v)

        def chunk_body(c, _):
            off = c * lanes
            m1 = blk_v[0, pl.ds(off, lanes)]
            i1 = jnp.zeros((lanes,), jnp.int32)
            m2 = jnp.full((lanes,), -3.0e38, jnp.float32)
            i2 = jnp.zeros((lanes,), jnp.int32)
            for e in range(1, N_EXPERT):
                v = blk_v[e, pl.ds(off, lanes)]
                gt1 = v > m1
                gt2 = v > m2
                m2 = jnp.where(gt1, m1, jnp.where(gt2, v, m2))
                i2 = jnp.where(gt1, i1, jnp.where(gt2, e, i2))
                m1 = jnp.where(gt1, v, m1)
                i1 = jnp.where(gt1, e, i1)
            e2 = jnp.exp(m2 - m1)
            pk_v[pl.ds(off, lanes)] = i1 | (i2 << 4)
            s1_v[pl.ds(off, lanes)] = 1.0 / (1.0 + e2)
            return 0

        lax.fori_loop(0, chunks, chunk_body, 0)
        pltpu.sync_copy(pk_v, pk_hbm.at[pl.ds(base, rpw)])
        pltpu.sync_copy(s1_v, s1_hbm.at[pl.ds(base, rpw)])

    return sc_router


_sc_router = _make_sc_router()


def kernel(inp, W, b):
    gate_t = _gate_transposed(inp, W, b)
    pk, s1 = _sc_router(gate_t)
    idx = (pk[:, None] >> jnp.array([0, 4], jnp.int32)) & 15
    score = s1[:, None] * jnp.array([1.0, -1.0], jnp.float32) \
        + jnp.array([0.0, 1.0], jnp.float32)
    return (idx, score)

# --- scband reference (transcript-rebuilt; emitter-appended) ---
"""Pipeline reference for scband-naive-gate-85521388798000 (READ-ONLY COPY).

The authoritative reference and input builder live on the scoring server;
editing this copy changes nothing except your own understanding.
"""

import jax, jax.numpy as jnp
import numpy as np

TOKENS = 8192
N_EMBD = 2048
N_EXPERT = 16
TOP_K = 2


def setup_inputs(seed: int = 0) -> dict:
    key = jax.random.key(seed)
    k1, k2, k3 = jax.random.split(key, 3)
    inp = jax.random.normal(k1, (TOKENS, N_EMBD), dtype=jnp.float32)
    # nn.Linear(n_embd, moe_num_expert): weight [out, in], bias [out]
    W = jax.random.normal(k2, (N_EXPERT, N_EMBD), dtype=jnp.float32) * (1.0 / np.sqrt(N_EMBD))
    b = jnp.zeros((N_EXPERT,), dtype=jnp.float32)
    return {"inp": inp, "W": W, "b": b}


def reference(inp, W, b):
    # gate = self.gate(inp)
    gate = inp @ W.T + b
    # torch.topk(gate, k=top_k, dim=-1, largest=True)
    gate_top_k_val, gate_top_k_idx = jax.lax.top_k(gate, TOP_K)
    # softmax over dim=1 (last dim of the 2D [tokens, top_k] tensor)
    gate_top_k_score = jax.nn.softmax(gate_top_k_val, axis=-1)
    return (gate_top_k_idx, gate_top_k_score)

if __name__ == "__main__":
    import jax
    _d = setup_inputs()
    print(jax.jit(kernel)(*tuple(_d.values())))

</pallas_src>

<mosaic_0001>
#map = affine_map<(d0, d1) -> (0, 0)>
#map1 = affine_map<(d0, d1) -> (0)>
module attributes {stable_mosaic.version = 14 : i64} {
  func.func @sc_router(%arg0: i32, %arg1: i32, %arg2: memref<16x8192xf32, #tpu.memory_space<hbm>>, %arg3: memref<8192xi32, #tpu.memory_space<hbm>>, %arg4: memref<8192xf32, #tpu.memory_space<hbm>>, %arg5: memref<16x256xf32, #tpu.memory_space<vmem>>, %arg6: memref<256xi32, #tpu.memory_space<vmem>>, %arg7: memref<256xf32, #tpu.memory_space<vmem>>) attributes {dimension_semantics = [#tpu.dimension_semantics<core_parallel>, #tpu.dimension_semantics<subcore_parallel>], iteration_bounds = array<i64: 2, 16>, scalar_prefetch = 0 : i64, scratch_operands = 3 : i64, tpu.core_type = #tpu.core_type<sc_vector_subcore>, window_params = [{transform_indices = #map}, {transform_indices = #map1}, {transform_indices = #map1}]} {
    %mul3A = arith.constant 2 : i32
    %mul3A_0 = arith.muli %arg1, %mul3A : i32
    %add3A = arith.addi %mul3A_0, %arg0 : i32
    %mul3A_1 = arith.constant 256 : i32
    %mul3A_2 = arith.muli %add3A, %mul3A_1 : i32
    "tpu.region"() ({
      %run_scoped3A = tpu.sem_alloc : memref<!tpu.dma_semaphore, #tpu.memory_space<semaphore_mem>>
      %dma_start3A = arith.constant 0 : i32
      %dma_start3A_9 = tpu.memref_slice %arg2[%dma_start3A, %mul3A_2] : memref<16x8192xf32, #tpu.memory_space<hbm>> -> memref<16x256xf32, #tpu.memory_space<hbm>>
      %dma_start3A_10 = arith.constant 0 : i32
      %dma_start3A_11 = tpu.memref_slice %arg2[%dma_start3A_10, %mul3A_2] : memref<16x8192xf32, #tpu.memory_space<hbm>> -> memref<16x256xf32, #tpu.memory_space<hbm>>
      tpu.enqueue_dma source(%dma_start3A_11 : memref<16x256xf32, #tpu.memory_space<hbm>>) target(%arg5 : memref<16x256xf32, #tpu.memory_space<vmem>>) target_semaphore(%run_scoped3A : memref<!tpu.dma_semaphore, #tpu.memory_space<semaphore_mem>>)
      %dma_wait3A = arith.constant 0 : i32
      %dma_wait3A_12 = tpu.memref_slice %arg2[%dma_wait3A, %mul3A_2] : memref<16x8192xf32, #tpu.memory_space<hbm>> -> memref<16x256xf32, #tpu.memory_space<hbm>>
      %dma_wait3A_13 = arith.constant 0 : i32
      %dma_wait3A_14 = tpu.memref_slice %arg2[%dma_wait3A_13, %mul3A_2] : memref<16x8192xf32, #tpu.memory_space<hbm>> -> memref<16x256xf32, #tpu.memory_space<hbm>>
      tpu.wait_dma2 semaphore(%run_scoped3A : memref<!tpu.dma_semaphore, #tpu.memory_space<semaphore_mem>>) src(%dma_wait3A_14 : memref<16x256xf32, #tpu.memory_space<hbm>>) dst(%arg5 : memref<16x256xf32, #tpu.memory_space<vmem>>)
      tpu.yield
    }) : () -> ()
    %scan3A = arith.constant 0 : i32
    %scan3A_3 = arith.constant 0 : i32
    %scan3A_4 = arith.constant 16 : i32
    %scan3A_5 = arith.addi %scan3A_3, %scan3A_4 : i32
    %scan3A_6 = arith.constant 1 : i32
    %scan3A_7 = scf.for %scan3A_9 = %scan3A_3 to %scan3A_5 step %scan3A_6 iter_args(%scan3A_10 = %scan3A) -> (i32)  : i32 {
      %mul3A_11 = arith.constant 16 : i32
      %mul3A_12 = arith.muli %scan3A_9, %mul3A_11 : i32
      %get3A = arith.constant 0 : i32
      %get3A_13 = arith.index_cast %get3A : i32 to index
      %get3A_14 = arith.index_cast %mul3A_12 : i32 to index
      %get3A_15 = tpu.vector_load %arg5[%get3A_13, %get3A_14] {strides = array<i32>} : memref<16x256xf32, #tpu.memory_space<vmem>>, vector<1x16xf32>,
      %get3A_16 = vector.shape_cast %get3A_15 : vector<1x16xf32> to vector<16xf32>
      %broadcast_in_dim3A = arith.constant 0 : i32
      %broadcast_in_dim3A_17 = vector.broadcast %broadcast_in_dim3A : i32 to vector<16xi32>
      %broadcast_in_dim3A_18 = arith.constant -3.000000e+38 : f32
      %broadcast_in_dim3A_19 = vector.broadcast %broadcast_in_dim3A_18 : f32 to vector<16xf32>
      %broadcast_in_dim3A_20 = arith.constant 0 : i32
      %broadcast_in_dim3A_21 = vector.broadcast %broadcast_in_dim3A_20 : i32 to vector<16xi32>
      %get3A_22 = arith.constant 1 : i32
      %get3A_23 = arith.index_cast %get3A_22 : i32 to index
      %get3A_24 = arith.index_cast %mul3A_12 : i32 to index
      %get3A_25 = tpu.vector_load %arg5[%get3A_23, %get3A_24] {strides = array<i32>} : memref<16x256xf32, #tpu.memory_space<vmem>>, vector<1x16xf32>,
      %get3A_26 = vector.shape_cast %get3A_25 : vector<1x16xf32> to vector<16xf32>
      %gt3A = arith.cmpf ogt, %get3A_26, %get3A_16 : vector<16xf32>
      %gt3A_27 = arith.cmpf ogt, %get3A_26, %broadcast_in_dim3A_19 : vector<16xf32>
      %select_n3A = arith.select %gt3A_27, %get3A_26, %broadcast_in_dim3A_19 : vector<16xi1>, vector<16xf32>
      %select_n3A_28 = arith.select %gt3A, %get3A_16, %select_n3A : vector<16xi1>, vector<16xf32>
      %jit3A = arith.constant 1 : i32
      %broadcast_in_dim3A_29 = vector.broadcast %jit3A : i32 to vector<16xi32>
      %select_n3A_30 = arith.select %gt3A_27, %broadcast_in_dim3A_29, %broadcast_in_dim3A_21 : vector<16xi1>, vector<16xi32>
      %select_n3A_31 = arith.select %gt3A, %broadcast_in_dim3A_17, %select_n3A_30 : vector<16xi1>, vector<16xi32>
      %select_n3A_32 = arith.select %gt3A, %get3A_26, %get3A_16 : vector<16xi1>, vector<16xf32>
      %jit3A_33 = arith.constant 1 : i32
      %broadcast_in_dim3A_34 = vector.broadcast %jit3A_33 : i32 to vector<16xi32>
      %select_n3A_35 = arith.select %gt3A, %broadcast_in_dim3A_34, %broadcast_in_dim3A_17 : vector<16xi1>, vector<16xi32>
      %get3A_36 = arith.constant 2 : i32
      %get3A_37 = arith.index_cast %get3A_36 : i32 to index
      %get3A_38 = arith.index_cast %mul3A_12 : i32 to index
      %get3A_39 = tpu.vector_load %arg5[%get3A_37, %get3A_38] {strides = array<i32>} : memref<16x256xf32, #tpu.memory_space<vmem>>, vector<1x16xf32>,
      %get3A_40 = vector.shape_cast %get3A_39 : vector<1x16xf32> to vector<16xf32>
      %gt3A_41 = arith.cmpf ogt, %get3A_40, %select_n3A_32 : vector<16xf32>
      %gt3A_42 = arith.cmpf ogt, %get3A_40, %select_n3A_28 : vector<16xf32>
      %select_n3A_43 = arith.select %gt3A_42, %get3A_40, %select_n3A_28 : vector<16xi1>, vector<16xf32>
      %select_n3A_44 = arith.select %gt3A_41, %select_n3A_32, %select_n3A_43 : vector<16xi1>, vector<16xf32>
      %jit3A_45 = arith.constant 2 : i32
      %broadcast_in_dim3A_46 = vector.broadcast %jit3A_45 : i32 to vector<16xi32>
      %select_n3A_47 = arith.select %gt3A_42, %broadcast_in_dim3A_46, %select_n3A_31 : vector<16xi1>, vector<16xi32>
      %select_n3A_48 = arith.select %gt3A_41, %select_n3A_35, %select_n3A_47 : vector<16xi1>, vector<16xi32>
      %select_n3A_49 = arith.select %gt3A_41, %get3A_40, %select_n3A_32 : vector<16xi1>, vector<16xf32>
      %jit3A_50 = arith.constant 2 : i32
      %broadcast_in_dim3A_51 = vector.broadcast %jit3A_50 : i32 to vector<16xi32>
      %select_n3A_52 = arith.select %gt3A_41, %broadcast_in_dim3A_51, %select_n3A_35 : vector<16xi1>, vector<16xi32>
      %get3A_53 = arith.constant 3 : i32
      %get3A_54 = arith.index_cast %get3A_53 : i32 to index
      %get3A_55 = arith.index_cast %mul3A_12 : i32 to index
      %get3A_56 = tpu.vector_load %arg5[%get3A_54, %get3A_55] {strides = array<i32>} : memref<16x256xf32, #tpu.memory_space<vmem>>, vector<1x16xf32>,
      %get3A_57 = vector.shape_cast %get3A_56 : vector<1x16xf32> to vector<16xf32>
      %gt3A_58 = arith.cmpf ogt, %get3A_57, %select_n3A_49 : vector<16xf32>
      %gt3A_59 = arith.cmpf ogt, %get3A_57, %select_n3A_44 : vector<16xf32>
      %select_n3A_60 = arith.select %gt3A_59, %get3A_57, %select_n3A_44 : vector<16xi1>, vector<16xf32>
      %select_n3A_61 = arith.select %gt3A_58, %select_n3A_49, %select_n3A_60 : vector<16xi1>, vector<16xf32>
      %jit3A_62 = arith.constant 3 : i32
      %broadcast_in_dim3A_63 = vector.broadcast %jit3A_62 : i32 to vector<16xi32>
      %select_n3A_64 = arith.select %gt3A_59, %broadcast_in_dim3A_63, %select_n3A_48 : vector<16xi1>, vector<16xi32>
      %select_n3A_65 = arith.select %gt3A_58, %select_n3A_52, %select_n3A_64 : vector<16xi1>, vector<16xi32>
      %select_n3A_66 = arith.select %gt3A_58, %get3A_57, %select_n3A_49 : vector<16xi1>, vector<16xf32>
      %jit3A_67 = arith.constant 3 : i32
      %broadcast_in_dim3A_68 = vector.broadcast %jit3A_67 : i32 to vector<16xi32>
      %select_n3A_69 = arith.select %gt3A_58, %broadcast_in_dim3A_68, %select_n3A_52 : vector<16xi1>, vector<16xi32>
      %get3A_70 = arith.constant 4 : i32
      %get3A_71 = arith.index_cast %get3A_70 : i32 to index
      %get3A_72 = arith.index_cast %mul3A_12 : i32 to index
      %get3A_73 = tpu.vector_load %arg5[%get3A_71, %get3A_72] {strides = array<i32>} : memref<16x256xf32, #tpu.memory_space<vmem>>, vector<1x16xf32>,
      %get3A_74 = vector.shape_cast %get3A_73 : vector<1x16xf32> to vector<16xf32>
      %gt3A_75 = arith.cmpf ogt, %get3A_74, %select_n3A_66 : vector<16xf32>
      %gt3A_76 = arith.cmpf ogt, %get3A_74, %select_n3A_61 : vector<16xf32>
      %select_n3A_77 = arith.select %gt3A_76, %get3A_74, %select_n3A_61 : vector<16xi1>, vector<16xf32>
      %select_n3A_78 = arith.select %gt3A_75, %select_n3A_66, %select_n3A_77 : vector<16xi1>, vector<16xf32>
      %jit3A_79 = arith.constant 4 : i32
      %broadcast_in_dim3A_80 = vector.broadcast %jit3A_79 : i32 to vector<16xi32>
      %select_n3A_81 = arith.select %gt3A_76, %broadcast_in_dim3A_80, %select_n3A_65 : vector<16xi1>, vector<16xi32>
      %select_n3A_82 = arith.select %gt3A_75, %select_n3A_69, %select_n3A_81 : vector<16xi1>, vector<16xi32>
      %select_n3A_83 = arith.select %gt3A_75, %get3A_74, %select_n3A_66 : vector<16xi1>, vector<16xf32>
      %jit3A_84 = arith.constant 4 : i32
      %broadcast_in_dim3A_85 = vector.broadcast %jit3A_84 : i32 to vector<16xi32>
      %select_n3A_86 = arith.select %gt3A_75, %broadcast_in_dim3A_85, %select_n3A_69 : vector<16xi1>, vector<16xi32>
      %get3A_87 = arith.constant 5 : i32
      %get3A_88 = arith.index_cast %get3A_87 : i32 to index
      %get3A_89 = arith.index_cast %mul3A_12 : i32 to index
      %get3A_90 = tpu.vector_load %arg5[%get3A_88, %get3A_89] {strides = array<i32>} : memref<16x256xf32, #tpu.memory_space<vmem>>, vector<1x16xf32>,
      %get3A_91 = vector.shape_cast %get3A_90 : vector<1x16xf32> to vector<16xf32>
      %gt3A_92 = arith.cmpf ogt, %get3A_91, %select_n3A_83 : vector<16xf32>
      %gt3A_93 = arith.cmpf ogt, %get3A_91, %select_n3A_78 : vector<16xf32>
      %select_n3A_94 = arith.select %gt3A_93, %get3A_91, %select_n3A_78 : vector<16xi1>, vector<16xf32>
      %select_n3A_95 = arith.select %gt3A_92, %select_n3A_83, %select_n3A_94 : vector<16xi1>, vector<16xf32>
      %jit3A_96 = arith.constant 5 : i32
      %broadcast_in_dim3A_97 = vector.broadcast %jit3A_96 : i32 to vector<16xi32>
      %select_n3A_98 = arith.select %gt3A_93, %broadcast_in_dim3A_97, %select_n3A_82 : vector<16xi1>, vector<16xi32>
      %select_n3A_99 = arith.select %gt3A_92, %select_n3A_86, %select_n3A_98 : vector<16xi1>, vector<16xi32>
      %select_n3A_100 = arith.select %gt3A_92, %get3A_91, %select_n3A_83 : vector<16xi1>, vector<16xf32>
      %jit3A_101 = arith.constant 5 : i32
      %broadcast_in_dim3A_102 = vector.broadcast %jit3A_101 : i32 to vector<16xi32>
      %select_n3A_103 = arith.select %gt3A_92, %broadcast_in_dim3A_102, %select_n3A_86 : vector<16xi1>, vector<16xi32>
      %get3A_104 = arith.constant 6 : i32
      %get3A_105 = arith.index_cast %get3A_104 : i32 to index
      %get3A_106 = arith.index_cast %mul3A_12 : i32 to index
      %get3A_107 = tpu.vector_load %arg5[%get3A_105, %get3A_106] {strides = array<i32>} : memref<16x256xf32, #tpu.memory_space<vmem>>, vector<1x16xf32>,
      %get3A_108 = vector.shape_cast %get3A_107 : vector<1x16xf32> to vector<16xf32>
      %gt3A_109 = arith.cmpf ogt, %get3A_108, %select_n3A_100 : vector<16xf32>
      %gt3A_110 = arith.cmpf ogt, %get3A_108, %select_n3A_95 : vector<16xf32>
      %select_n3A_111 = arith.select %gt3A_110, %get3A_108, %select_n3A_95 : vector<16xi1>, vector<16xf32>
      %select_n3A_112 = arith.select %gt3A_109, %select_n3A_100, %select_n3A_111 : vector<16xi1>, vector<16xf32>
      %jit3A_113 = arith.constant 6 : i32
      %broadcast_in_dim3A_114 = vector.broadcast %jit3A_113 : i32 to vector<16xi32>
      %select_n3A_115 = arith.select %gt3A_110, %broadcast_in_dim3A_114, %select_n3A_99 : vector<16xi1>, vector<16xi32>
      %select_n3A_116 = arith.select %gt3A_109, %select_n3A_103, %select_n3A_115 : vector<16xi1>, vector<16xi32>
      %select_n3A_117 = arith.select %gt3A_109, %get3A_108, %select_n3A_100 : vector<16xi1>, vector<16xf32>
      %jit3A_118 = arith.constant 6 : i32
      %broadcast_in_dim3A_119 = vector.broadcast %jit3A_118 : i32 to vector<16xi32>
      %select_n3A_120 = arith.select %gt3A_109, %broadcast_in_dim3A_119, %select_n3A_103 : vector<16xi1>, vector<16xi32>
      %get3A_121 = arith.constant 7 : i32
      %get3A_122 = arith.index_cast %get3A_121 : i32 to index
      %get3A_123 = arith.index_cast %mul3A_12 : i32 to index
      %get3A_124 = tpu.vector_load %arg5[%get3A_122, %get3A_123] {strides = array<i32>} : memref<16x256xf32, #tpu.memory_space<vmem>>, vector<1x16xf32>,
      %get3A_125 = vector.shape_cast %get3A_124 : vector<1x16xf32> to vector<16xf32>
      %gt3A_126 = arith.cmpf ogt, %get3A_125, %select_n3A_117 : vector<16xf32>
      %gt3A_127 = arith.cmpf ogt, %get3A_125, %select_n3A_112 : vector<16xf32>
      %select_n3A_128 = arith.select %gt3A_127, %get3A_125, %select_n3A_112 : vector<16xi1>, vector<16xf32>
      %select_n3A_129 = arith.select %gt3A_126, %select_n3A_117, %select_n3A_128 : vector<16xi1>, vector<16xf32>
      %jit3A_130 = arith.constant 7 : i32
      %broadcast_in_dim3A_131 = vector.broadcast %jit3A_130 : i32 to vector<16xi32>
      %select_n3A_132 = arith.select %gt3A_127, %broadcast_in_dim3A_131, %select_n3A_116 : vector<16xi1>, vector<16xi32>
      %select_n3A_133 = arith.select %gt3A_126, %select_n3A_120, %select_n3A_132 : vector<16xi1>, vector<16xi32>
      %select_n3A_134 = arith.select %gt3A_126, %get3A_125, %select_n3A_117 : vector<16xi1>, vector<16xf32>
      %jit3A_135 = arith.constant 7 : i32
      %broadcast_in_dim3A_136 = vector.broadcast %jit3A_135 : i32 to vector<16xi32>
      %select_n3A_137 = arith.select %gt3A_126, %broadcast_in_dim3A_136, %select_n3A_120 : vector<16xi1>, vector<16xi32>
      %get3A_138 = arith.constant 8 : i32
      %get3A_139 = arith.index_cast %get3A_138 : i32 to index
      %get3A_140 = arith.index_cast %mul3A_12 : i32 to index
      %get3A_141 = tpu.vector_load %arg5[%get3A_139, %get3A_140] {strides = array<i32>} : memref<16x256xf32, #tpu.memory_space<vmem>>, vector<1x16xf32>,
      %get3A_142 = vector.shape_cast %get3A_141 : vector<1x16xf32> to vector<16xf32>
      %gt3A_143 = arith.cmpf ogt, %get3A_142, %select_n3A_134 : vector<16xf32>
      %gt3A_144 = arith.cmpf ogt, %get3A_142, %select_n3A_129 : vector<16xf32>
      %select_n3A_145 = arith.select %gt3A_144, %get3A_142, %select_n3A_129 : vector<16xi1>, vector<16xf32>
      %select_n3A_146 = arith.select %gt3A_143, %select_n3A_134, %select_n3A_145 : vector<16xi1>, vector<16xf32>
      %jit3A_147 = arith.constant 8 : i32
      %broadcast_in_dim3A_148 = vector.broadcast %jit3A_147 : i32 to vector<16xi32>
      %select_n3A_149 = arith.select %gt3A_144, %broadcast_in_dim3A_148, %select_n3A_133 : vector<16xi1>, vector<16xi32>
      %select_n3A_150 = arith.select %gt3A_143, %select_n3A_137, %select_n3A_149 : vector<16xi1>, vector<16xi32>
      %select_n3A_151 = arith.select %gt3A_143, %get3A_142, %select_n3A_134 : vector<16xi1>, vector<16xf32>
      %jit3A_152 = arith.constant 8 : i32
      %broadcast_in_dim3A_153 = vector.broadcast %jit3A_152 : i32 to vector<16xi32>
      %select_n3A_154 = arith.select %gt3A_143, %broadcast_in_dim3A_153, %select_n3A_137 : vector<16xi1>, vector<16xi32>
      %get3A_155 = arith.constant 9 : i32
      %get3A_156 = arith.index_cast %get3A_155 : i32 to index
      %get3A_157 = arith.index_cast %mul3A_12 : i32 to index
      %get3A_158 = tpu.vector_load %arg5[%get3A_156, %get3A_157] {strides = array<i32>} : memref<16x256xf32, #tpu.memory_space<vmem>>, vector<1x16xf32>,
      %get3A_159 = vector.shape_cast %get3A_158 : vector<1x16xf32> to vector<16xf32>
      %gt3A_160 = arith.cmpf ogt, %get3A_159, %select_n3A_151 : vector<16xf32>
      %gt3A_161 = arith.cmpf ogt, %get3A_159, %select_n3A_146 : vector<16xf32>
      %select_n3A_162 = arith.select %gt3A_161, %get3A_159, %select_n3A_146 : vector<16xi1>, vector<16xf32>
      %select_n3A_163 = arith.select %gt3A_160, %select_n3A_151, %select_n3A_162 : vector<16xi1>, vector<16xf32>
      %jit3A_164 = arith.constant 9 : i32
      %broadcast_in_dim3A_165 = vector.broadcast %jit3A_164 : i32 to vector<16xi32>
      %select_n3A_166 = arith.select %gt3A_161, %broadcast_in_dim3A_165, %select_n3A_150 : vector<16xi1>, vector<16xi32>
      %select_n3A_167 = arith.select %gt3A_160, %select_n3A_154, %select_n3A_166 : vector<16xi1>, vector<16xi32>
      %select_n3A_168 = arith.select %gt3A_160, %get3A_159, %select_n3A_151 : vector<16xi1>, vector<16xf32>
      %jit3A_169 = arith.constant 9 : i32
      %broadcast_in_dim3A_170 = vector.broadcast %jit3A_169 : i32 to vector<16xi32>
      %select_n3A_171 = arith.select %gt3A_160, %broadcast_in_dim3A_170, %select_n3A_154 : vector<16xi1>, vector<16xi32>
      %get3A_172 = arith.constant 10 : i32
      %get3A_173 = arith.index_cast %get3A_172 : i32 to index
      %get3A_174 = arith.index_cast %mul3A_12 : i32 to index
      %get3A_175 = tpu.vector_load %arg5[%get3A_173, %get3A_174] {strides = array<i32>} : memref<16x256xf32, #tpu.memory_space<vmem>>, vector<1x16xf32>,
      %get3A_176 = vector.shape_cast %get3A_175 : vector<1x16xf32> to vector<16xf32>
      %gt3A_177 = arith.cmpf ogt, %get3A_176, %select_n3A_168 : vector<16xf32>
      %gt3A_178 = arith.cmpf ogt, %get3A_176, %select_n3A_163 : vector<16xf32>
      %select_n3A_179 = arith.select %gt3A_178, %get3A_176, %select_n3A_163 : vector<16xi1>, vector<16xf32>
      %select_n3A_180 = arith.select %gt3A_177, %select_n3A_168, %select_n3A_179 : vector<16xi1>, vector<16xf32>
      %jit3A_181 = arith.constant 10 : i32
      %broadcast_in_dim3A_182 = vector.broadcast %jit3A_181 : i32 to vector<16xi32>
      %select_n3A_183 = arith.select %gt3A_178, %broadcast_in_dim3A_182, %select_n3A_167 : vector<16xi1>, vector<16xi32>
      %select_n3A_184 = arith.select %gt3A_177, %select_n3A_171, %select_n3A_183 : vector<16xi1>, vector<16xi32>
      %select_n3A_185 = arith.select %gt3A_177, %get3A_176, %select_n3A_168 : vector<16xi1>, vector<16xf32>
      %jit3A_186 = arith.constant 10 : i32
      %broadcast_in_dim3A_187 = vector.broadcast %jit3A_186 : i32 to vector<16xi32>
      %select_n3A_188 = arith.select %gt3A_177, %broadcast_in_dim3A_187, %select_n3A_171 : vector<16xi1>, vector<16xi32>
      %get3A_189 = arith.constant 11 : i32
      %get3A_190 = arith.index_cast %get3A_189 : i32 to index
      %get3A_191 = arith.index_cast %mul3A_12 : i32 to index
      %get3A_192 = tpu.vector_load %arg5[%get3A_190, %get3A_191] {strides = array<i32>} : memref<16x256xf32, #tpu.memory_space<vmem>>, vector<1x16xf32>,
      %get3A_193 = vector.shape_cast %get3A_192 : vector<1x16xf32> to vector<16xf32>
      %gt3A_194 = arith.cmpf ogt, %get3A_193, %select_n3A_185 : vector<16xf32>
      %gt3A_195 = arith.cmpf ogt, %get3A_193, %select_n3A_180 : vector<16xf32>
      %select_n3A_196 = arith.select %gt3A_195, %get3A_193, %select_n3A_180 : vector<16xi1>, vector<16xf32>
      %select_n3A_197 = arith.select %gt3A_194, %select_n3A_185, %select_n3A_196 : vector<16xi1>, vector<16xf32>
      %jit3A_198 = arith.constant 11 : i32
      %broadcast_in_dim3A_199 = vector.broadcast %jit3A_198 : i32 to vector<16xi32>
      %select_n3A_200 = arith.select %gt3A_195, %broadcast_in_dim3A_199, %select_n3A_184 : vector<16xi1>, vector<16xi32>
      %select_n3A_201 = arith.select %gt3A_194, %select_n3A_188, %select_n3A_200 : vector<16xi1>, vector<16xi32>
      %select_n3A_202 = arith.select %gt3A_194, %get3A_193, %select_n3A_185 : vector<16xi1>, vector<16xf32>
      %jit3A_203 = arith.constant 11 : i32
      %broadcast_in_dim3A_204 = vector.broadcast %jit3A_203 : i32 to vector<16xi32>
      %select_n3A_205 = arith.select %gt3A_194, %broadcast_in_dim3A_204, %select_n3A_188 : vector<16xi1>, vector<16xi32>
      %get3A_206 = arith.constant 12 : i32
      %get3A_207 = arith.index_cast %get3A_206 : i32 to index
      %get3A_208 = arith.index_cast %mul3A_12 : i32 to index
      %get3A_209 = tpu.vector_load %arg5[%get3A_207, %get3A_208] {strides = array<i32>} : memref<16x256xf32, #tpu.memory_space<vmem>>, vector<1x16xf32>,
      %get3A_210 = vector.shape_cast %get3A_209 : vector<1x16xf32> to vector<16xf32>
      %gt3A_211 = arith.cmpf ogt, %get3A_210, %select_n3A_202 : vector<16xf32>
      %gt3A_212 = arith.cmpf ogt, %get3A_210, %select_n3A_197 : vector<16xf32>
      %select_n3A_213 = arith.select %gt3A_212, %get3A_210, %select_n3A_197 : vector<16xi1>, vector<16xf32>
      %select_n3A_214 = arith.select %gt3A_211, %select_n3A_202, %select_n3A_213 : vector<16xi1>, vector<16xf32>
      %jit3A_215 = arith.constant 12 : i32
      %broadcast_in_dim3A_216 = vector.broadcast %jit3A_215 : i32 to vector<16xi32>
      %select_n3A_217 = arith.select %gt3A_212, %broadcast_in_dim3A_216, %select_n3A_201 : vector<16xi1>, vector<16xi32>
      %select_n3A_218 = arith.select %gt3A_211, %select_n3A_205, %select_n3A_217 : vector<16xi1>, vector<16xi32>
      %select_n3A_219 = arith.select %gt3A_211, %get3A_210, %select_n3A_202 : vector<16xi1>, vector<16xf32>
      %jit3A_220 = arith.constant 12 : i32
      %broadcast_in_dim3A_221 = vector.broadcast %jit3A_220 : i32 to vector<16xi32>
      %select_n3A_222 = arith.select %gt3A_211, %broadcast_in_dim3A_221, %select_n3A_205 : vector<16xi1>, vector<16xi32>
      %get3A_223 = arith.constant 13 : i32
      %get3A_224 = arith.index_cast %get3A_223 : i32 to index
      %get3A_225 = arith.index_cast %mul3A_12 : i32 to index
      %get3A_226 = tpu.vector_load %arg5[%get3A_224, %get3A_225] {strides = array<i32>} : memref<16x256xf32, #tpu.memory_space<vmem>>, vector<1x16xf32>,
      %get3A_227 = vector.shape_cast %get3A_226 : vector<1x16xf32> to vector<16xf32>
      %gt3A_228 = arith.cmpf ogt, %get3A_227, %select_n3A_219 : vector<16xf32>
      %gt3A_229 = arith.cmpf ogt, %get3A_227, %select_n3A_214 : vector<16xf32>
      %select_n3A_230 = arith.select %gt3A_229, %get3A_227, %select_n3A_214 : vector<16xi1>, vector<16xf32>
      %select_n3A_231 = arith.select %gt3A_228, %select_n3A_219, %select_n3A_230 : vector<16xi1>, vector<16xf32>
      %jit3A_232 = arith.constant 13 : i32
      %broadcast_in_dim3A_233 = vector.broadcast %jit3A_232 : i32 to vector<16xi32>
      %select_n3A_234 = arith.select %gt3A_229, %broadcast_in_dim3A_233, %select_n3A_218 : vector<16xi1>, vector<16xi32>
      %select_n3A_235 = arith.select %gt3A_228, %select_n3A_222, %select_n3A_234 : vector<16xi1>, vector<16xi32>
      %select_n3A_236 = arith.select %gt3A_228, %get3A_227, %select_n3A_219 : vector<16xi1>, vector<16xf32>
      %jit3A_237 = arith.constant 13 : i32
      %broadcast_in_dim3A_238 = vector.broadcast %jit3A_237 : i32 to vector<16xi32>
      %select_n3A_239 = arith.select %gt3A_228, %broadcast_in_dim3A_238, %select_n3A_222 : vector<16xi1>, vector<16xi32>
      %get3A_240 = arith.constant 14 : i32
      %get3A_241 = arith.index_cast %get3A_240 : i32 to index
      %get3A_242 = arith.index_cast %mul3A_12 : i32 to index
      %get3A_243 = tpu.vector_load %arg5[%get3A_241, %get3A_242] {strides = array<i32>} : memref<16x256xf32, #tpu.memory_space<vmem>>, vector<1x16xf32>,
      %get3A_244 = vector.shape_cast %get3A_243 : vector<1x16xf32> to vector<16xf32>
      %gt3A_245 = arith.cmpf ogt, %get3A_244, %select_n3A_236 : vector<16xf32>
      %gt3A_246 = arith.cmpf ogt, %get3A_244, %select_n3A_231 : vector<16xf32>
      %select_n3A_247 = arith.select %gt3A_246, %get3A_244, %select_n3A_231 : vector<16xi1>, vector<16xf32>
      %select_n3A_248 = arith.select %gt3A_245, %select_n3A_236, %select_n3A_247 : vector<16xi1>, vector<16xf32>
      %jit3A_249 = arith.constant 14 : i32
      %broadcast_in_dim3A_250 = vector.broadcast %jit3A_249 : i32 to vector<16xi32>
      %select_n3A_251 = arith.select %gt3A_246, %broadcast_in_dim3A_250, %select_n3A_235 : vector<16xi1>, vector<16xi32>
      %select_n3A_252 = arith.select %gt3A_245, %select_n3A_239, %select_n3A_251 : vector<16xi1>, vector<16xi32>
      %select_n3A_253 = arith.select %gt3A_245, %get3A_244, %select_n3A_236 : vector<16xi1>, vector<16xf32>
      %jit3A_254 = arith.constant 14 : i32
      %broadcast_in_dim3A_255 = vector.broadcast %jit3A_254 : i32 to vector<16xi32>
      %select_n3A_256 = arith.select %gt3A_245, %broadcast_in_dim3A_255, %select_n3A_239 : vector<16xi1>, vector<16xi32>
      %get3A_257 = arith.constant 15 : i32
      %get3A_258 = arith.index_cast %get3A_257 : i32 to index
      %get3A_259 = arith.index_cast %mul3A_12 : i32 to index
      %get3A_260 = tpu.vector_load %arg5[%get3A_258, %get3A_259] {strides = array<i32>} : memref<16x256xf32, #tpu.memory_space<vmem>>, vector<1x16xf32>,
      %get3A_261 = vector.shape_cast %get3A_260 : vector<1x16xf32> to vector<16xf32>
      %gt3A_262 = arith.cmpf ogt, %get3A_261, %select_n3A_253 : vector<16xf32>
      %gt3A_263 = arith.cmpf ogt, %get3A_261, %select_n3A_248 : vector<16xf32>
      %select_n3A_264 = arith.select %gt3A_263, %get3A_261, %select_n3A_248 : vector<16xi1>, vector<16xf32>
      %select_n3A_265 = arith.select %gt3A_262, %select_n3A_253, %select_n3A_264 : vector<16xi1>, vector<16xf32>
      %jit3A_266 = arith.constant 15 : i32
      %broadcast_in_dim3A_267 = vector.broadcast %jit3A_266 : i32 to vector<16xi32>
      %select_n3A_268 = arith.select %gt3A_263, %broadcast_in_dim3A_267, %select_n3A_252 : vector<16xi1>, vector<16xi32>
      %select_n3A_269 = arith.select %gt3A_262, %select_n3A_256, %select_n3A_268 : vector<16xi1>, vector<16xi32>
      %select_n3A_270 = arith.select %gt3A_262, %get3A_261, %select_n3A_253 : vector<16xi1>, vector<16xf32>
      %jit3A_271 = arith.constant 15 : i32
      %broadcast_in_dim3A_272 = vector.broadcast %jit3A_271 : i32 to vector<16xi32>
      %select_n3A_273 = arith.select %gt3A_262, %broadcast_in_dim3A_272, %select_n3A_256 : vector<16xi1>, vector<16xi32>
      %sub3A = arith.subf %select_n3A_265, %select_n3A_270 : vector<16xf32>
      %exp3A = math.exp %sub3A : vector<16xf32>
      %shift_left3A = arith.constant 4 : i32
      %shift_left3A_274 = vector.broadcast %shift_left3A : i32 to vector<16xi32>
      %shift_left3A_275 = arith.shli %select_n3A_269, %shift_left3A_274 : vector<16xi32>
      %or3A = arith.ori %select_n3A_273, %shift_left3A_275 : vector<16xi32>
      %swap3A = arith.index_cast %mul3A_12 : i32 to index
      %swap3A_276 = tpu.vector_load %arg6[%swap3A] {strides = array<i32>} : memref<256xi32, #tpu.memory_space<vmem>>, vector<16xi32>,
      %swap3A_277 = vector.shape_cast %swap3A_276 : vector<16xi32> to vector<16xi32>
      %swap3A_278 = vector.shape_cast %or3A : vector<16xi32> to vector<16xi32>
      tpu.vector_store %arg6[%swap3A], %swap3A_278 {strides = array<i32>} : memref<256xi32, #tpu.memory_space<vmem>>, vector<16xi32>,
      %add3A_279 = arith.constant 1.000000e+00 : f32
      %add3A_280 = vector.broadcast %add3A_279 : f32 to vector<16xf32>
      %add3A_281 = arith.addf %add3A_280, %exp3A : vector<16xf32>
      %div3A = arith.constant 1.000000e+00 : f32
      %div3A_282 = vector.broadcast %div3A : f32 to vector<16xf32>
      %div3A_283 = arith.divf %div3A_282, %add3A_281 : vector<16xf32>
      %swap3A_284 = arith.index_cast %mul3A_12 : i32 to index
      %swap3A_285 = tpu.vector_load %arg7[%swap3A_284] {strides = array<i32>} : memref<256xf32, #tpu.memory_space<vmem>>, vector<16xf32>,
      %swap3A_286 = vector.shape_cast %swap3A_285 : vector<16xf32> to vector<16xf32>
      %swap3A_287 = vector.shape_cast %div3A_283 : vector<16xf32> to vector<16xf32>
      tpu.vector_store %arg7[%swap3A_284], %swap3A_287 {strides = array<i32>} : memref<256xf32, #tpu.memory_space<vmem>>, vector<16xf32>,
      %scan3A_288 = arith.constant 0 : i32
      scf.yield %scan3A_288 : i32
    }
    %scan3A_8 = arith.constant 16 : i32
    "tpu.region"() ({
      %run_scoped3A = tpu.sem_alloc : memref<!tpu.dma_semaphore, #tpu.memory_space<semaphore_mem>>
      %dma_start3A = tpu.memref_slice %arg3[%mul3A_2] : memref<8192xi32, #tpu.memory_space<hbm>> -> memref<256xi32, #tpu.memory_space<hbm>>
      %dma_start3A_9 = tpu.memref_slice %arg3[%mul3A_2] : memref<8192xi32, #tpu.memory_space<hbm>> -> memref<256xi32, #tpu.memory_space<hbm>>
      tpu.enqueue_dma source(%arg6 : memref<256xi32, #tpu.memory_space<vmem>>) target(%dma_start3A_9 : memref<256xi32, #tpu.memory_space<hbm>>) target_semaphore(%run_scoped3A : memref<!tpu.dma_semaphore, #tpu.memory_space<semaphore_mem>>)
      %dma_wait3A = tpu.memref_slice %arg3[%mul3A_2] : memref<8192xi32, #tpu.memory_space<hbm>> -> memref<256xi32, #tpu.memory_space<hbm>>
      %dma_wait3A_10 = tpu.memref_slice %arg3[%mul3A_2] : memref<8192xi32, #tpu.memory_space<hbm>> -> memref<256xi32, #tpu.memory_space<hbm>>
      tpu.wait_dma2 semaphore(%run_scoped3A : memref<!tpu.dma_semaphore, #tpu.memory_space<semaphore_mem>>) src(%arg6 : memref<256xi32, #tpu.memory_space<vmem>>) dst(%dma_wait3A_10 : memref<256xi32, #tpu.memory_space<hbm>>)
      tpu.yield
    }) : () -> ()
    "tpu.region"() ({
      %run_scoped3A = tpu.sem_alloc : memref<!tpu.dma_semaphore, #tpu.memory_space<semaphore_mem>>
      %dma_start3A = tpu.memref_slice %arg4[%mul3A_2] : memref<8192xf32, #tpu.memory_space<hbm>> -> memref<256xf32, #tpu.memory_space<hbm>>
      %dma_start3A_9 = tpu.memref_slice %arg4[%mul3A_2] : memref<8192xf32, #tpu.memory_space<hbm>> -> memref<256xf32, #tpu.memory_space<hbm>>
      tpu.enqueue_dma source(%arg7 : memref<256xf32, #tpu.memory_space<vmem>>) target(%dma_start3A_9 : memref<256xf32, #tpu.memory_space<hbm>>) target_semaphore(%run_scoped3A : memref<!tpu.dma_semaphore, #tpu.memory_space<semaphore_mem>>)
      %dma_wait3A = tpu.memref_slice %arg4[%mul3A_2] : memref<8192xf32, #tpu.memory_space<hbm>> -> memref<256xf32, #tpu.memory_space<hbm>>
      %dma_wait3A_10 = tpu.memref_slice %arg4[%mul3A_2] : memref<8192xf32, #tpu.memory_space<hbm>> -> memref<256xf32, #tpu.memory_space<hbm>>
      tpu.wait_dma2 semaphore(%run_scoped3A : memref<!tpu.dma_semaphore, #tpu.memory_space<semaphore_mem>>) src(%arg7 : memref<256xf32, #tpu.memory_space<vmem>>) dst(%dma_wait3A_10 : memref<256xf32, #tpu.memory_space<hbm>>)
      tpu.yield
    }) : () -> ()
    return
  }
}

module attributes {stable_mosaic.version = 14 : i64} {
  func.func @_gate_tc_body(%arg0: i32, %arg1: memref<1024x2048xf32, #tpu.memory_space<vmem>>, %arg2: memref<16x2048xf32, #tpu.memory_space<vmem>>, %arg3: memref<16x1xf32, #tpu.memory_space<vmem>>, %arg4: memref<16x1024xf32, #tpu.memory_space<vmem>>) attributes {dimension_semantics = [#tpu.dimension_semantics<arbitrary>], iteration_bounds = array<i64: 8>, scalar_prefetch = 0 : i64, scratch_operands = 0 : i64, tpu.core_type = #tpu.core_type<tc>, window_params = [{transform_indices = @transform_0, window_bounds = array<i64: 1024, 2048>}, {pipeline_mode = #tpu.pipeline_mode<synchronous>, transform_indices = @transform_1, window_bounds = array<i64: 16, 2048>}, {pipeline_mode = #tpu.pipeline_mode<synchronous>, transform_indices = @transform_2, window_bounds = array<i64: 16, 1>}, {transform_indices = @transform_3, window_bounds = array<i64: 16, 1024>}]} {
    %get3A = arith.constant 0 : index
    %get3A_0 = arith.constant 0 : index
    %get3A_1 = vector.load %arg2[%get3A, %get3A_0] : memref<16x2048xf32, #tpu.memory_space<vmem>>, vector<16x2048xf32>
    %get3A_2 = arith.constant 0 : index
    %get3A_3 = arith.constant 0 : index
    %get3A_4 = vector.load %arg1[%get3A_2, %get3A_3] : memref<1024x2048xf32, #tpu.memory_space<vmem>>, vector<1024x2048xf32>
    %dot_general3A = arith.constant dense<0.000000e+00> : vector<16x1024xf32>
    %dot_general3A_5 = tpu.matmul %get3A_1, %get3A_4, %dot_general3A {dimension_numbers = #tpu.dot_dimension_numbers<[1], [1], [0], [0], [0, 0, 1, 0], [], []>, transpose_lhs_hint = false} : vector<16x2048xf32>, vector<1024x2048xf32>, vector<16x1024xf32> -> vector<16x1024xf32>
    %get3A_6 = arith.constant 0 : index
    %get3A_7 = arith.constant 0 : index
    %get3A_8 = vector.load %arg3[%get3A_6, %get3A_7] : memref<16x1xf32, #tpu.memory_space<vmem>>, vector<16x1xf32>
    %add3A = vector.broadcast %get3A_8 : vector<16x1xf32> to vector<16x1024xf32>
    %add3A_9 = arith.addf %dot_general3A_5, %add3A : vector<16x1024xf32>
    %swap3A = arith.constant 0 : index
    %swap3A_10 = arith.constant 0 : index
    %swap3A_11 = vector.load %arg4[%swap3A, %swap3A_10] : memref<16x1024xf32, #tpu.memory_space<vmem>>, vector<16x1024xf32>
    tpu.vector_store %arg4[%swap3A, %swap3A_10], %add3A_9 {strides = array<i32>} : memref<16x1024xf32, #tpu.memory_space<vmem>>, vector<16x1024xf32>,
    return
  }
  func.func @transform_0(%arg0: i32) -> (i32, i32) {
    %c0_i32 = arith.constant 0 : i32
    %c0_i32_0 = arith.constant 0 : i32
    return %arg0, %c0_i32 : i32, i32
  }
  func.func @transform_1(%arg0: i32) -> (i32, i32) {
    %c0_i32 = arith.constant 0 : i32
    %c0_i32_0 = arith.constant 0 : i32
    %c0_i32_1 = arith.constant 0 : i32
    return %c0_i32, %c0_i32_0 : i32, i32
  }
  func.func @transform_2(%arg0: i32) -> (i32, i32) {
    %c0_i32 = arith.constant 0 : i32
    %c0_i32_0 = arith.constant 0 : i32
    %c0_i32_1 = arith.constant 0 : i32
    return %c0_i32, %c0_i32_0 : i32, i32
  }
  func.func @transform_3(%arg0: i32) -> (i32, i32) {
    %c0_i32 = arith.constant 0 : i32
    %c0_i32_0 = arith.constant 0 : i32
    return %c0_i32, %arg0 : i32, i32
  }
}

</mosaic_0001>

<sc_bundles>
// kernel: kernel.4.cloned.1.call-start
scs
__scs_entry_jumppad:
0x0: {  	(pc) =	sbr.rel $0x88, $3  }
0x1: {  	(tag) =	ssettag $0x0;
	lr =	simm.s32 $0x1  }
0x2: {  	[smem:$0x3F9E] =	sst lr;
	_ =	strace $0xD0000000  }
0x3: {  	_ = 	snop  }
0x4: {  	_ = 	snop  }
0x5: {  	_ = 	snop  }
0x6: {  	_ = 	snop  }
0x7: {  	_ = 	snop  }
__scs_overlays_trampoline_lowered:
0x8: {  	[smem:$0x3FAD] =	sst s0  }
0x9: {  	[smem:$0x3FAE] =	sst s1  }
0xa: {  	[smem:$0x3FAF] =	sst s2  }
0xb: {  	[smem:$0x3FB0] =	sst s3  }
0xc: {  	[smem:$0x3FB1] =	sst s4  }
0xd: {  	[smem:$0x3FB2] =	sst s5  }
0xe: {  	[smem:$0x3FB3] =	sst s6  }
0xf: {  	[smem:$0x3FB4] =	sst s7  }
0x10: {  	[smem:$0x3FB5] =	sst s8  }
0x11: {  	[smem:$0x3FB6] =	sst s9;
	s0 =	simm.s32 @!p0 $0x0  }
0x12: {  	s1 =	sld [smem:$0x3F9C];
	s0 =	simm.s32 @p0 $0x1  }
0x13: {  	[smem:$0x3FB7] =	sst s0;
	s0 =	simm.s32 @!p1 $0x0  }
0x14: {  	s2 =	sld [smem:$0x3F9B];
	s0 =	simm.s32 @p1 $0x1  }
0x15: {  	[smem:$0x3FB8] =	sst s0;
	s0 =	simm.s32 @!p2 $0x0  }
0x16: {  	s3 =	sld [smem:$0x3FDB];
	s0 =	simm.s32 @p2 $0x1  }
0x17: {  	s4 =	simm.s32 $0x1BF5;
	[smem:$0x3FBA] =	sst s0  }
0x18: {  	s0 =	sld [smem:$0x3F9D];
	_ =	swait.ge [sflag:s4], $0x0  }
0x19: {  	s7 =	sld [smem:$0x3F9E]  }
0x1a: {  	s8 =	sadd.s32 $0xFFFFE003, lr  }
0x1b: {  	s9 =	sadd.s32 $0xFFFFFEF7, lr;
	s5 =	simm.s32 $0xFFFFFFFF;
	p2 =	slt.u32 s8, $0xFFFFF086  }
0x1c: {  	p1 =	slt.u32 s9, $0xF7A;
	s5 =	simm.s32 @!p2 $0x0  }
0x1d: {  	s5 =	simm.s32 @p1 $0x1;
	p0 =	seq.s32 s7, s2  }
0x1e: {  	s7 =	smul.u32 @!p0 $0xF7A, s2;
	p2 =	seq.s32 @!p0 s5, $0x0  }
0x1f: {  	s9 =	smul.u32 $0xF7A, s1;
	s8 =	simm.s32 @!p0 $0x1BF5;
	p2 =	por !p2, p0  }
0x20: {  	[sflag:s8] =	ssyncset.s32 @!p0 $0xFFFFF086;
	s6 =	sadd.s32 @!p0 s3, s7;
	s7 =	simm.s32 @!p0 $0x108  }
0x21: {  	s3 =	sadd.s32 s3, s9;
	s6 =	sadd.s32 @!p0 $0x88, s6;
	s7 =	simm.s32 @p2 $0x1082  }
0x22: {  	[simem:s7], [sflag:s8] =	dma.local @!p0 [hbm:s6], $0xF7A  }
0x23: {  	s9 =	sor.u32 $0xD0000000, s2;
	s6 =	simm.s32 $0x108;
	_ =	swait.ge @!p0 [sflag:s8], $0x0  }
0x24: {  	s3 =	sadd.s32 $0x88, s3;
	s6 =	simm.s32 @!p1 $0x1082;
	[sflag:s4] =	ssyncset.s32 $0xFFFFF086  }
0x25: {  	[simem:s6], [sflag:s4] =	dma.local [hbm:s3], $0xF7A  }
0x26: {  	[smem:$0x3F9E] =	sst s1;
	(tag) =	ssettag s2;
	_ =	strace s9  }
0x27: {  	s1 =	sld [smem:$0x3FAE]  }
0x28: {  	s2 =	sld [smem:$0x3FAF]  }
0x29: {  	s4 =	sld [smem:$0x3FB1]  }
0x2a: {  	p0 =	seq.s32 s5, $0x0;
	s5 =	sld [smem:$0x3FB2]  }
0x2b: {  	s6 =	sld [smem:$0x3FB3]  }
0x2c: {  	s7 =	sld [smem:$0x3FB4]  }
0x2d: {  	s3 =	simm.s32 $0x108;
	s8 =	sld [smem:$0x3FB5]  }
0x2e: {  	s3 =	simm.s32 @!p0 $0x1082;
	s9 =	sld [smem:$0x3FB6]  }
0x2f: {  	lr =	sadd.s32 s0, s3;
	s0 =	sld [smem:$0x3FAD]  }
0x30: {  	s3 =	sld [smem:$0x3FB0]  }
0x31: {  	[smem:$0x3FB9] =	sst s10  }
0x32: {  	s10 =	sld [smem:$0x3FB7];
	_ =	sdelay $0x3  }
0x33: {  	p0 =	seq.s32 s10, $0x1;
	s10 =	sld [smem:$0x3FB9];
	_ =	sdelay $0x3  }
0x34: {  	[smem:$0x3FB9] =	sst s10  }
0x35: {  	s10 =	sld [smem:$0x3FB8];
	_ =	sdelay $0x3  }
0x36: {  	p1 =	seq.s32 s10, $0x1;
	s10 =	sld [smem:$0x3FB9];
	_ =	sdelay $0x3  }
0x37: {  	[smem:$0x3FB9] =	sst s10  }
0x38: {  	s10 =	sld [smem:$0x3FBA]  }
0x39: {  	_ = 	snop;
	(pc) =	sbr.ind lr, $3  }
0x3a: {  	_ = 	snop  }
0x3b: {  	_ = 	snop  }
0x3c: {  	p2 =	seq.s32 s10, $0x1;
	s10 =	sld [smem:$0x3FB9]  }
0x3d: {  	_ =	shalt  }
0x3e: {  	_ =	shalt  }
0x3f: {  	_ =	shalt  }
0x40: {  	_ =	shalt  }
0x41: {  	_ =	shalt  }
0x42: {  	_ =	shalt  }
0x43: {  	_ =	shalt  }
0x44: {  	_ =	shalt  }
0x45: {  	_ =	shalt  }
0x46: {  	_ =	shalt  }
0x47: {  	_ =	shalt  }
0x48: {  	_ =	shalt  }
0x49: {  	_ =	shalt  }
0x4a: {  	_ =	shalt  }
0x4b: {  	_ =	shalt  }
0x4c: {  	_ =	shalt  }
0x4d: {  	_ =	shalt  }
0x4e: {  	_ =	shalt  }
0x4f: {  	_ =	shalt  }
0x50: {  	_ =	shalt  }
0x51: {  	_ =	shalt  }
0x52: {  	_ =	shalt  }
0x53: {  	_ =	shalt  }
0x54: {  	_ =	shalt  }
0x55: {  	_ =	shalt  }
0x56: {  	_ =	shalt  }
0x57: {  	_ =	shalt  }
0x58: {  	_ =	shalt  }
0x59: {  	_ =	shalt  }
0x5a: {  	_ =	shalt  }
0x5b: {  	_ =	shalt  }
0x5c: {  	_ =	shalt  }
0x5d: {  	_ =	shalt  }
0x5e: {  	_ =	shalt  }
0x5f: {  	_ =	shalt  }
0x60: {  	_ =	shalt  }
0x61: {  	_ =	shalt  }
0x62: {  	_ =	shalt  }
0x63: {  	_ =	shalt  }
0x64: {  	_ =	shalt  }
0x65: {  	_ =	shalt  }
0x66: {  	_ =	shalt  }
0x67: {  	_ =	shalt  }
0x68: {  	_ =	shalt  }
0x69: {  	_ =	shalt  }
0x6a: {  	_ =	shalt  }
0x6b: {  	_ =	shalt  }
0x6c: {  	_ =	shalt  }
0x6d: {  	_ =	shalt  }
0x6e: {  	_ =	shalt  }
0x6f: {  	_ =	shalt  }
0x70: {  	_ =	shalt  }
0x71: {  	_ =	shalt  }
0x72: {  	_ =	shalt  }
0x73: {  	_ =	shalt  }
0x74: {  	_ =	shalt  }
0x75: {  	_ =	shalt  }
0x76: {  	_ =	shalt  }
0x77: {  	_ =	shalt  }
0x78: {  	_ =	shalt  }
0x79: {  	_ =	shalt  }
0x7a: {  	_ =	shalt  }
0x7b: {  	_ =	shalt  }
0x7c: {  	_ =	shalt  }
0x7d: {  	_ =	shalt  }
0x7e: {  	_ =	shalt  }
0x7f: {  	_ =	shalt  }
0x80: {  	_ =	shalt  }
0x81: {  	_ =	shalt  }
0x82: {  	_ =	shalt  }
0x83: {  	_ =	shalt  }
0x84: {  	_ =	shalt  }
0x85: {  	_ =	shalt  }
0x86: {  	_ =	shalt  }
0x87: {  	_ =	shalt  }
.Lfunc_end0:
.L_simem_size_0:
called_computation_lowered:
.L_overlay_start_0:
0x88: {  	s2 =	sld [smem:$0x3FD9]  }
0x89: {  	s3 =	sld [smem:$0x3FFE];
	_ =	sdelay $0x1  }
0x8a: {  	s1 =	srdreg.scid  }
0x8b: {  	s0 =	sand.u32 $0x1, s1  }
0x8c: {  	s14 =	sshll.u32 s0, $0xA;
	s2 =	sadd.s32 s3, s2  }
0x8d: {  	s2 =	sadd.s32 s2, s14  }
0x8e: {  	[smem:$0x3FC5] =	sst s2  }
0x8f: {  	_ = 	snop  }
0x90: {  	s2 =	sld [smem:$0x3FD0];
	_ =	sdelay $0x2  }
0x91: {  	s15 =	simm.s32 $0xA;
	s4 =	simm.s32 $0x10  }
0x92: {  	[smem:s4], [sflag:s15] =	dma.local [hbm:s2], $0x1  }
0x93: {  	_ =	swait.eq [sflag:s15], $0x1  }
0x94: {  	[sflag:s15] =	ssyncset.done $0x0  }
0x95: {  	[sflag:s15] =	ssyncadd.s32 $0xFFFFFFFF  }
0x96: {  	s16 =	sld [smem:$0x11];
	(tm) =	ssettm $0x1  }
0x97: {  	s17 =	sld [smem:$0x3FFB];
	_ =	sdelay $0x3  }
0x98: {  	_ =	strace s17  }
0x99: {  	s3 =	sld [smem:$0x3FFC];
	_ =	sdelay $0x3  }
0x9a: {  	_ =	strace s3  }
0x9b: {  	s3 =	sld [smem:$0x3FFD];
	_ =	sdelay $0x3  }
0x9c: {  	_ =	strace s3  }
0x9d: {  	_ =	strace $0x8FFFFFFF  }
0x9e: {  	s18 =	sld [smem:$0x3FDB];
	_ =	sdelay $0x1  }
0x9f: {  	s19 =	simm.s32 $_scs_section_size  }
0xa0: {  	s5 =	simm.s32 $_size__tile_overlayer_lowered;
	s6 =	simm.s32 $_tile_overlayer_lowered  }
0xa1: {  	s22 =	simm.s32 $0x1BFF;
	s21 =	sshll.u32 s6, $0x1;
	s3 =	sadd.s32 s19, s18  }
0xa2: {  	s7 =	simm.s32 $0x0;
	s20 =	sshll.u32 s5, $0x1;
	s5 =	sadd.s32 s21, s3  }
0xa3: {  	[timem:s7], [sflag:s22] =	dma.local [hbm:s5], s20  }
0xa4: {  	_ =	swait.ge [sflag:s22], s20  }
0xa5: {  	s4 =	ssub.s32 $0x0, s20;
	[sflag:s22] =	ssyncset.done $0x0  }
0xa6: {  	[sflag:s22] =	ssyncadd.s32 s4;
	_ =	sdelay $0x1  }
0xa7: {  	s23 =	simm.s32 $0x1B8B  }
0xa8: {  	_ =	swait.ge [sflag:s23], $0x1  }
0xa9: {  	[sflag:s23] =	ssyncset.done $0x0  }
0xaa: {  	s25 =	simm.s32 $0x1B8E;
	s24 =	sld [smem:$0x3FFE];
	[sflag:s23] =	ssyncadd.s32 $0xFFFFFFFF  }
0xab: {  	s26 =	simm.s32 $execute0_lowered;
	[smem:$0x3FD2] =	sst s25  }
0xac: {  	s5 =	sshll.u32 s26, $0x1;
	_ =	strace $0x80000046;
	[dreg:$0x1] =	wrdreg $0xFFFFFFFF  }
0xad: {  	s28 =	simm.s32 $_size_execute0_lowered;
	s3 =	sadd.s32 s3, s5;
	[dreg:$0x0] =	wrdreg $0x0  }
0xae: {  	s5 =	sshll.u32 s28, $0x1;
	[dreg:$0x2] =	wrdreg s3  }
0xaf: {  	[dreg:$0x3] =	wrdreg s5  }
0xb0: {  	[dreg:$0x4] =	wrdreg $0xC0  }
0xb1: {  	_ =	task [dreg:s7], $0x5FFFF  }
0xb2: {  	[dreg:$0x1] =	wrdreg $0xFFFFFFFF  }
0xb3: {  	[dreg:$0x0] =	wrdreg $0x60  }
0xb4: {  	[dreg:$0x2] =	wrdreg s24  }
0xb5: {  	[dreg:$0x3] =	wrdreg s16  }
0xb6: {  	[dreg:$0x4] =	wrdreg $0x9  }
0xb7: {  	_ =	task.clear_ibuf [dreg:s7], $0x5FFFF;
	_ =	strace $0x90000046  }
0xb8: {  	s29 =	simm.s32 $0x9;
	_ =	strace $0x80000048  }
0xb9: {  	_ =	swait.ge [sflag:s29], $0x1  }
0xba: {  	[sflag:s29] =	ssyncadd.s32 $0xFFFFFFFF  }
0xbb: {  	_ =	strace $0x90000048  }
0xbc: {  	_ =	sfence  }
0xbd: {  	s30 =	sld [smem:$0x0];
	_ =	sdelay $0x2  }
0xbe: {  	s31 =	sshll.u32 s1, $0xD;
	s1 =	sshrl.u32 s1, $0x2  }
0xbf: {  	s3 =	sand.u32 $0x4000, s31;
	s1 =	sadd.s32 s1, s30  }
0xc0: {  	s0 =	sor.u32 s3, s0;
	s1 =	sshll.u32 s1, $0x11  }
0xc1: {  	s0 =	sor.u32 s1, s0  }
0xc2: {  	s0 =	sadd.s32 $0x8F2B, s0  }
0xc3: {  	[sflag:s0] =	ssyncadd.remote.s32 $0x1  }
0xc4: {  	_ =	sfence.sel $0xFFFF  }
0xc5: {  	[dreg:$0x0] =	wrdreg $0xFFFFFFFF;
	(pc) =	sbr.abs _section_cstart, $3  }
0xc6: {  	[dreg:$0x1] =	wrdreg $0xFFFFFFFF  }
0xc7: {  	_ =	task.clear_ibuf [dreg:s7], $0x2FFFF;
	_ =	strace $0x9FFFFFFF  }
0xc8: {  	(tm) =	ssettm $0x7FFFFFFF  }
0xc9: {  	_ =	shalt  }
tec
execute0_lowered:
.L_overlay_start_1:
0x0: {  	(tag) =	ssettag $0x1  }
0x1: {  	s3 =	rddreg [dreg:$0x0]  }
0x2: {  	s4 =	rddreg [dreg:$0x1]  }
0x3: {  	s0 =	rddreg [dreg:$0x2];
	s5 =	srdreg.scid  }
0x4: {  	s2 =	simm.s32 $0x0;
	s1 =	stileid.u32;
	s10 =	simm.s32 $0x1000  }
0x5: {  	s11 =	simm.s32 $0x1100;
	s12 =	simm.s32 $0x0;
	s5 =	sand.u32 $0x1, s5  }
0x6: {  	[smem:$0x7FF] =	sst s2;
	s6 =	sshll.u32 s1, $0x9;
	s7 =	sshll.u32 s5, $0x8  }
0x7: {  	_ =	strace $0x80000047;
	s5 =	ssub.s32 $0x2, s5;
	s6 =	sor.u32 s7, s6  }
0x8: {  	s8 =	sshrl.u32 s5, $0x1;
	s7 =	sadd.s32 s6, s3;
	s6 =	sshrl.u32 s6, $0x3  }
0x9: {  	s8 =	ssub.s32 s5, s8;
	s9 =	sadd.s32 s6, s3;
	s3 =	sadd.s32 $0xE00, s7  }
0xa: {  	s4 =	sadd.s32 s4, s6;
	s6 =	smax.u32 s8, $0x1;
	s7 =	simm.s32 $0x800  }
0xb: {  	v0 =	vimm.s32 $0x0;
	s8 =	simm.s32 $0x10000;
	s5 =	sadd.s32 $0x4E00, s9;
	s9 =	simm.s32 $0x1  }
.LBB2_1:
0xc: {  	[tilespmem:s2], [sflag:$0x1] =	stream.strided.gather [hbm4b:s3+s7], $0x1000, s8, s7, $0x38;
	[tilespmem:$0x1200] =	vst v63  }
0xd: {  	_ =	swait.ge [sflag:s9], $0x1000  }
0xe: {  	s13 =	sand.u32 $0x70, s2;
	s14 =	sand.u32 $0x400, s2;
	[sflag:s9] =	ssyncset.done $0x0  }
0xf: {  	s13 =	sor.u32 s13, s14;
	[sflag:s9] =	ssyncadd.s32 $0xFFFFF000  }
0x10: {  	v1 =	vld [tilespmem:s13+$0x0]  }
0x11: {  	v2 =	vld [tilespmem:s13+$0x80];
	_ =	sdelay $0x2  }
0x12: {  	v3 =	vld [tilespmem:s13+$0x100];
	_ =	sdelay $0x1  }
0x13: {  	vm4 =	vgt.f32 v2, v1;
	vm6 =	vgt.f32 v2, $-3.000000010e+38  }
0x14: {  	v4 =	vld [tilespmem:s13+$0x180];
	vm0 =	vmneg vm4;
	v5 =	vnsel vm6, $0xFF61B1E6, v2  }
0x15: {  	v5 =	vsel vm0, v5, v1  }
0x16: {  	v1 =	vsel vm0, v1, v2;
	vm12 =	vgt.f32 v3, v5  }
0x17: {  	v2 =	vld [tilespmem:s13+$0x200];
	vm11 =	vgt.f32 v3, v1;
	v5 =	vsel vm12, v3, v5  }
0x18: {  	v5 =	vsel vm11, v1, v5  }
0x19: {  	v1 =	vsel vm11, v3, v1;
	vm14 =	vgt.f32 v4, v5  }
0x1a: {  	v3 =	vld [tilespmem:s13+$0x280];
	vm9 =	vgt.f32 v4, v1;
	v5 =	vsel vm14, v4, v5  }
0x1b: {  	v5 =	vsel vm9, v1, v5  }
0x1c: {  	v1 =	vsel vm9, v4, v1;
	vm15 =	vgt.f32 v2, v5  }
0x1d: {  	v56 =	vld [tilespmem:s13+$0x300];
	vm10 =	vgt.f32 v2, v1;
	v5 =	vsel vm15, v2, v5  }
0x1e: {  	v5 =	vsel vm10, v1, v5  }
0x1f: {  	v1 =	vsel vm10, v2, v1;
	vm13 =	vgt.f32 v3, v5  }
0x20: {  	v2 =	vld [tilespmem:s13+$0x380];
	vm7 =	vgt.f32 v3, v1;
	v5 =	vsel vm13, v3, v5  }
0x21: {  	v5 =	vsel vm7, v1, v5  }
0x22: {  	v1 =	vsel vm7, v3, v1;
	vm8 =	vgt.f32 v56, v5  }
0x23: {  	v3 =	vld [tilespmem:s13+$0x800];
	vm3 =	vgt.f32 v56, v1;
	v5 =	vsel vm8, v56, v5  }
0x24: {  	v5 =	vsel vm3, v1, v5  }
0x25: {  	v1 =	vsel vm3, v56, v1;
	vm5 =	vgt.f32 v2, v5  }
0x26: {  	vm1 =	vgt.f32 v2, v1;
	v5 =	vsel vm5, v2, v5  }
0x27: {  	v57 =	vld [tilespmem:s13+$0x880];
	v5 =	vsel vm1, v1, v5  }
0x28: {  	v1 =	vsel vm1, v2, v1;
	v2 =	vimm.s32 $0x0;
	vm2 =	vgt.f32 v3, v5  }
0x29: {  	v2 =	vsel vm2, $0xFFFFFFFF, v2  }
0x2a: {  	v5 =	vsel vm2, v3, v5;
	vm2 =	vgt.f32 v3, v1;
	[tilespmem:$0x1FFF0] =	vst v2;
	v2 =	vld [tilespmem:s13+$0x900]  }
0x2b: {  	v6 =	vsel vm4, $0x1, v0;
	vm0 =	vmand vm0, vm6;
	v5 =	vsel vm2, v1, v5  }
0x2c: {  	v7 =	vsel vm0, $0x1, v0;
	v1 =	vsel vm2, v3, v1;
	vm6 =	vgt.f32 v57, v5  }
0x2d: {  	v58 =	vld [tilespmem:s13+$0x980];
	v3 =	vsel vm12, $0x2, v7;
	vm4 =	vgt.f32 v57, v1;
	v5 =	vsel vm6, v57, v5  }
0x2e: {  	v3 =	vsel vm11, v6, v3;
	v5 =	vsel vm4, v1, v5  }
0x2f: {  	v6 =	vsel vm11, $0x2, v6;
	v1 =	vsel vm4, v57, v1;
	vm12 =	vgt.f32 v2, v5  }
0x30: {  	v59 =	vld [tilespmem:s13+$0xA00];
	v3 =	vsel vm14, $0x3, v3;
	vm11 =	vgt.f32 v2, v1;
	v5 =	vsel vm12, v2, v5  }
0x31: {  	v3 =	vsel vm9, v6, v3;
	v5 =	vsel vm11, v1, v5  }
0x32: {  	v3 =	vsel vm15, $0x4, v3;
	v1 =	vsel vm11, v2, v1;
	vm14 =	vgt.f32 v58, v5  }
0x33: {  	v60 =	vld [tilespmem:s13+$0xA80];
	v2 =	vsel vm9, $0x3, v6;
	vm9 =	vgt.f32 v58, v1;
	v5 =	vsel vm14, v58, v5  }
0x34: {  	v3 =	vsel vm10, v2, v3;
	v5 =	vsel vm9, v1, v5  }
0x35: {  	v2 =	vsel vm10, $0x4, v2;
	v1 =	vsel vm9, v58, v1;
	vm15 =	vgt.f32 v59, v5  }
0x36: {  	v61 =	vld [tilespmem:s13+$0xB00];
	v3 =	vsel vm13, $0x5, v3;
	vm10 =	vgt.f32 v59, v1;
	v5 =	vsel vm15, v59, v5  }
0x37: {  	v3 =	vsel vm7, v2, v3;
	v5 =	vsel vm10, v1, v5  }
0x38: {  	v63 =	vld [tilespmem:$0x1FFF0];
	v2 =	vsel vm7, $0x5, v2;
	v1 =	vsel vm10, v59, v1;
	vm7 =	vgt.f32 v60, v5  }
0x39: {  	v62 =	vld [tilespmem:s13+$0xB80];
	v3 =	vsel vm8, $0x6, v3;
	vm0 =	vgt.f32 v60, v1;
	v5 =	vsel vm7, v60, v5  }
0x3a: {  	v3 =	vsel vm3, v2, v3;
	v5 =	vsel vm0, v1, v5  }
0x3b: {  	v2 =	vsel vm3, $0x6, v2;
	v1 =	vsel vm0, v60, v1;
	vm8 =	vgt.f32 v61, v5  }
0x3c: {  	v3 =	vsel vm5, $0x7, v3;
	vm3 =	vgt.f32 v61, v1;
	v5 =	vsel vm8, v61, v5  }
0x3d: {  	vm13 =	vnez.u8 v63;
	v3 =	vsel vm1, v2, v3;
	v5 =	vsel vm3, v1, v5  }
0x3e: {  	v2 =	vsel vm1, $0x7, v2;
	v1 =	vsel vm3, v61, v1;
	vm1 =	vgt.f32 v62, v5  }
0x3f: {  	v3 =	vsel vm13, $0x8, v3;
	vm13 =	vgt.f32 v62, v1;
	v5 =	vsel vm1, v62, v5  }
0x40: {  	v4 =	vsel vm13, v62, v1;
	v1 =	vsel vm13, v1, v5  }
0x41: {  	v1 =	vsub.f32 v1, v4;
	_ =	sdelay $0x1  }
0x42: {  	v1 =	vmul.f32 $1.442695020e+00, v1;
	_ =	sdelay $0x1  }
0x43: {  	(erf) = vpow2.f32 v1  }
0x44: {  	v3 =	vsel vm2, v2, v3  }
0x45: {  	v2 =	vsel vm2, $0x8, v2;
	v3 =	vsel vm6, $0x9, v3  }
0x46: {  	v3 =	vsel vm4, v2, v3  }
0x47: {  	v2 =	vsel vm4, $0x9, v2;
	v3 =	vsel vm12, $0xA, v3  }
0x48: {  	v3 =	vsel vm11, v2, v3  }
0x49: {  	v3 =	vsel vm14, $0xB, v3  }
0x4a: {  	v2 =	vsel vm11, $0xA, v2  }
0x4b: {  	v1 =	vsel vm9, v2, v3  }
0x4c: {  	v2 =	vsel vm9, $0xB, v2;
	v1 =	vsel vm15, $0xC, v1;
	v3 =	vpop (erf)  }
0x4d: {  	v1 =	vsel vm10, v2, v1;
	v3 =	vadd.f32 $1.000000000e+00, v3  }
0x4e: {  	v2 =	vsel vm10, $0xC, v2;
	v1 =	vsel vm7, $0xD, v1  }
0x4f: {  	v1 =	vsel vm0, v2, v1;
	(erf) = vrcp.f32 v3  }
0x50: {  	v2 =	vsel vm0, $0xD, v2;
	v1 =	vsel vm8, $0xE, v1  }
0x51: {  	v1 =	vsel vm3, v2, v1  }
0x52: {  	v2 =	vsel vm3, $0xE, v2;
	v1 =	vsel vm1, $0xF, v1  }
0x53: {  	v1 =	vsel vm13, v2, v1  }
0x54: {  	s31 =	simm.s32 $0x10;
	v2 =	vsel vm13, $0xF, v2;
	v1 =	vshll.u32 v1, $0x4  }
0x55: {  	s19 =	simm.s32 $0x20;
	s16 =	simm.s32 $0x80;
	s17 =	simm.s32 $0x1100;
	v1 =	vor.u32 v2, v1  }
0x56: {  	s15 =	sand.u32 $0x70, s31;
	s14 =	simm.s32 $0x1010;
	s13 =	simm.s32 $0x1110;
	[tilespmem:s10+$0x0] =	vst v1  }
.LBB2_2:
0x57: {  	s18 =	smov.u32 s19  }
0x58: {  	s20 =	sand.u32 $0x70, s19;
	s21 =	sand.u32 $0x400, s16;
	v1 =	vpop (erf);
	s18 =	sadd.s32 $0x10, s19  }
0x59: {  	p0 =	sne.s32 s19, $0xF0;
	s19 =	sor.u32 s15, s21;
	s15 =	smov.u32 s20;
	[tilespmem:s17+$0x0] =	vst v1  }
0x5a: {  	s17 =	smov.u32 s13;
	v1 =	vld [tilespmem:s19+$0x0]  }
0x5b: {  	v2 =	vld [tilespmem:s19+$0x80];
	_ =	sdelay $0x1  }
0x5c: {  	v3 =	vld [tilespmem:s19+$0x100];
	_ =	sdelay $0x2  }
0x5d: {  	vm0 =	vgt.f32 v2, v1;
	vm1 =	vgt.f32 v2, $-3.000000010e+38;
	v4 =	vld [tilespmem:s19+$0x180]  }
0x5e: {  	vm2 =	vmneg vm0;
	v5 =	vnsel vm1, $0xFF61B1E6, v2;
	v6 =	vsel vm0, $0x1, v0  }
0x5f: {  	v5 =	vsel vm2, v5, v1;
	vm0 =	vmand vm2, vm1;
	v1 =	vsel vm2, v1, v2  }
0x60: {  	v2 =	vsel vm0, $0x1, v0;
	vm0 =	vgt.f32 v3, v1;
	vm1 =	vgt.f32 v3, v5;
	v7 =	vld [tilespmem:s19+$0x200]  }
0x61: {  	v5 =	vsel vm1, v3, v5;
	v2 =	vsel vm1, $0x2, v2;
	v3 =	vsel vm0, v3, v1  }
0x62: {  	v1 =	vsel vm0, v1, v5;
	v2 =	vsel vm0, v6, v2;
	vm1 =	vgt.f32 v4, v3  }
0x63: {  	vm2 =	vgt.f32 v4, v1;
	v5 =	vld [tilespmem:s19+$0x280]  }
0x64: {  	v6 =	vsel vm0, $0x2, v6;
	v1 =	vsel vm2, v4, v1;
	v2 =	vsel vm2, $0x3, v2  }
0x65: {  	v1 =	vsel vm1, v3, v1;
	v2 =	vsel vm1, v6, v2;
	v3 =	vsel vm1, v4, v3  }
0x66: {  	vm0 =	vgt.f32 v7, v3;
	vm2 =	vgt.f32 v7, v1;
	v4 =	vld [tilespmem:s19+$0x300]  }
0x67: {  	v1 =	vsel vm2, v7, v1;
	v2 =	vsel vm2, $0x4, v2;
	v7 =	vsel vm0, v7, v3  }
0x68: {  	v6 =	vsel vm1, $0x3, v6;
	v1 =	vsel vm0, v3, v1  }
0x69: {  	v2 =	vsel vm0, v6, v2;
	vm1 =	vgt.f32 v5, v7;
	vm2 =	vgt.f32 v5, v1;
	v3 =	vld [tilespmem:s19+$0x380]  }
0x6a: {  	v6 =	vsel vm0, $0x4, v6;
	v1 =	vsel vm2, v5, v1;
	v2 =	vsel vm2, $0x5, v2  }
0x6b: {  	v5 =	vsel vm1, v5, v7;
	v1 =	vsel vm1, v7, v1;
	v2 =	vsel vm1, v6, v2;
	v7 =	vld [tilespmem:s19+$0x800]  }
0x6c: {  	v6 =	vsel vm1, $0x5, v6;
	vm0 =	vgt.f32 v4, v5;
	vm1 =	vgt.f32 v4, v1  }
0x6d: {  	v1 =	vsel vm1, v4, v1;
	v2 =	vsel vm1, $0x6, v2;
	v4 =	vsel vm0, v4, v5  }
0x6e: {  	v1 =	vsel vm0, v5, v1;
	v2 =	vsel vm0, v6, v2;
	v5 =	vsel vm0, $0x6, v6  }
0x6f: {  	vm0 =	vgt.f32 v3, v4;
	vm1 =	vgt.f32 v3, v1;
	v6 =	vld [tilespmem:s19+$0x880]  }
0x70: {  	v1 =	vsel vm1, v3, v1;
	v2 =	vsel vm1, $0x7, v2;
	v3 =	vsel vm0, v3, v4  }
0x71: {  	v1 =	vsel vm0, v4, v1;
	v2 =	vsel vm0, v5, v2;
	vm1 =	vgt.f32 v7, v3  }
0x72: {  	vm2 =	vgt.f32 v7, v1;
	v4 =	vsel vm1, v7, v3;
	v8 =	vld [tilespmem:s19+$0x900]  }
0x73: {  	v5 =	vsel vm0, $0x7, v5;
	v1 =	vsel vm2, v7, v1;
	v2 =	vsel vm2, $0x8, v2  }
0x74: {  	v1 =	vsel vm1, v3, v1;
	v2 =	vsel vm1, v5, v2  }
0x75: {  	v3 =	vsel vm1, $0x8, v5;
	vm0 =	vgt.f32 v6, v4;
	vm1 =	vgt.f32 v6, v1;
	v5 =	vld [tilespmem:s19+$0x980]  }
0x76: {  	v1 =	vsel vm1, v6, v1;
	v2 =	vsel vm1, $0x9, v2;
	v6 =	vsel vm0, v6, v4  }
0x77: {  	v1 =	vsel vm0, v4, v1;
	v4 =	vsel vm0, $0x9, v3  }
0x78: {  	v2 =	vsel vm0, v3, v2;
	vm0 =	vgt.f32 v8, v6;
	vm1 =	vgt.f32 v8, v1;
	v3 =	vld [tilespmem:s19+$0xA00]  }
0x79: {  	v7 =	vsel vm0, v8, v6;
	v1 =	vsel vm1, v8, v1;
	v2 =	vsel vm1, $0xA, v2  }
0x7a: {  	v1 =	vsel vm0, v6, v1;
	v2 =	vsel vm0, v4, v2;
	v4 =	vsel vm0, $0xA, v4  }
0x7b: {  	vm0 =	vgt.f32 v5, v7;
	vm1 =	vgt.f32 v5, v1;
	v6 =	vld [tilespmem:s19+$0xA80]  }
0x7c: {  	v1 =	vsel vm1, v5, v1;
	v2 =	vsel vm1, $0xB, v2;
	v5 =	vsel vm0, v5, v7  }
0x7d: {  	v1 =	vsel vm0, v7, v1;
	v2 =	vsel vm0, v4, v2  }
0x7e: {  	v4 =	vsel vm0, $0xB, v4;
	vm0 =	vgt.f32 v3, v5;
	vm1 =	vgt.f32 v3, v1;
	v7 =	vld [tilespmem:s19+$0xB00]  }
0x7f: {  	v1 =	vsel vm1, v3, v1;
	v2 =	vsel vm1, $0xC, v2;
	v3 =	vsel vm0, v3, v5  }
0x80: {  	v1 =	vsel vm0, v5, v1;
	v2 =	vsel vm0, v4, v2;
	v4 =	vsel vm0, $0xC, v4  }
0x81: {  	vm0 =	vgt.f32 v6, v3;
	vm1 =	vgt.f32 v6, v1;
	v5 =	vld [tilespmem:s19+$0xB80]  }
0x82: {  	v8 =	vsel vm0, $0xD, v4;
	v1 =	vsel vm1, v6, v1;
	v6 =	vsel vm0, v6, v3  }
0x83: {  	v2 =	vsel vm1, $0xD, v2;
	v1 =	vsel vm0, v3, v1  }
0x84: {  	v2 =	vsel vm0, v4, v2;
	vm0 =	vgt.f32 v7, v6;
	vm1 =	vgt.f32 v7, v1  }
0x85: {  	v3 =	vsel vm0, v7, v6;
	v1 =	vsel vm1, v7, v1;
	v2 =	vsel vm1, $0xE, v2  }
0x86: {  	v1 =	vsel vm0, v6, v1;
	v2 =	vsel vm0, v8, v2  }
0x87: {  	v4 =	vsel vm0, $0xE, v8;
	vm0 =	vgt.f32 v5, v3;
	vm1 =	vgt.f32 v5, v1  }
0x88: {  	v1 =	vsel vm1, v5, v1;
	v2 =	vsel vm1, $0xF, v2;
	v5 =	vsel vm0, v5, v3  }
0x89: {  	v1 =	vsel vm0, v3, v1;
	v2 =	vsel vm0, v4, v2  }
0x8a: {  	v3 =	vsel vm0, $0xF, v4;
	v1 =	vsub.f32 v1, v5;
	v2 =	vshll.u32 v2, $0x4  }
0x8b: {  	v2 =	vor.u32 v3, v2  }
0x8c: {  	v1 =	vmul.f32 $1.442695020e+00, v1;
	[tilespmem:s14+$0x0] =	vst v2;
	_ =	sdelay $0x1  }
0x8d: {  	(erf) = vpow2.f32 v1;
	_ =	sdelay $0x8  }
0x8e: {  	v1 =	vpop (erf)  }
0x8f: {  	v1 =	vadd.f32 $1.000000000e+00, v1;
	_ =	sdelay $0x1  }
0x90: {  	(erf) = vrcp.f32 v1;
	_ =	sdelay $0x3  }
.Ltmp0:
0x91: {  	(pc) =	sbr.rel @p0 .LBB2_2-.Ltmp0, $3  }
0x92: {  	_ =	sdelay $0x1  }
0x93: {  	s16 =	sadd.s32 $0x80, s16  }
0x94: {  	s13 =	sadd.s32 $0x10, s13;
	s19 =	smov.u32 s18;
	s14 =	sadd.s32 $0x10, s14  }
0x95: {  	s16 =	sand.u32 $0x400, s16;
	v1 =	vpop (erf)  }
0x96: {  	s15 =	sor.u32 s15, s16;
	[tilespmem:s17+$0x0] =	vst v1  }
0x97: {  	v1 =	vld [tilespmem:s15+$0x0]  }
0x98: {  	v2 =	vld [tilespmem:s15+$0x80];
	_ =	sdelay $0x2  }
0x99: {  	v3 =	vld [tilespmem:s15+$0x100];
	_ =	sdelay $0x1  }
0x9a: {  	vm12 =	vgt.f32 v2, v1;
	vm0 =	vgt.f32 v2, $-3.000000010e+38  }
0x9b: {  	v50 =	vld [tilespmem:s15+$0x180];
	vm14 =	vmneg vm12;
	v5 =	vnsel vm0, $0xFF61B1E6, v2  }
0x9c: {  	v5 =	vsel vm14, v5, v1  }
0x9d: {  	v4 =	vimm.s32 $0x0;
	v1 =	vsel vm14, v1, v2;
	vm13 =	vgt.f32 v3, v5  }
0x9e: {  	v4 =	vsel vm0, $0xFFFFFFFF, v4;
	vm0 =	vgt.f32 v3, v1;
	v5 =	vsel vm13, v3, v5  }
0x9f: {  	v2 =	vld [tilespmem:s15+$0x200];
	v5 =	vsel vm0, v1, v5  }
0xa0: {  	v1 =	vsel vm0, v3, v1;
	v3 =	vimm.s32 $0x0;
	vm1 =	vgt.f32 v50, v5  }
0xa1: {  	v3 =	vsel vm1, $0xFFFFFFFF, v3  }
0xa2: {  	vm10 =	vgt.f32 v50, v1;
	v5 =	vsel vm1, v50, v5;
	[tilespmem:$0x1FF50] =	vst v3;
	v3 =	vld [tilespmem:s15+$0x280]  }
0xa3: {  	v5 =	vsel vm10, v1, v5  }
0xa4: {  	v1 =	vsel vm10, v50, v1;
	vm4 =	vgt.f32 v2, v5  }
0xa5: {  	v52 =	vld [tilespmem:s15+$0x300];
	vm9 =	vgt.f32 v2, v1;
	v5 =	vsel vm4, v2, v5  }
0xa6: {  	v5 =	vsel vm9, v1, v5  }
0xa7: {  	v1 =	vsel vm9, v2, v1;
	v2 =	vimm.s32 $0x0;
	vm5 =	vgt.f32 v3, v5  }
0xa8: {  	vm8 =	vgt.f32 v3, v1;
	v2 =	vsel vm5, $0xFFFFFFFF, v2;
	v5 =	vsel vm5, v3, v5  }
0xa9: {  	[tilespmem:$0x1FF70] =	vst v2;
	v2 =	vld [tilespmem:s15+$0x380];
	v5 =	vsel vm8, v1, v5  }
0xaa: {  	v1 =	vsel vm8, v3, v1;
	v3 =	vimm.s32 $0x0;
	vm15 =	vgt.f32 v52, v5  }
0xab: {  	v3 =	vsel vm15, $0xFFFFFFFF, v3  }
0xac: {  	vm7 =	vgt.f32 v52, v1;
	v5 =	vsel vm15, v52, v5;
	[tilespmem:$0x1FF80] =	vst v3;
	v3 =	vld [tilespmem:s15+$0x800]  }
0xad: {  	v5 =	vsel vm7, v1, v5  }
0xae: {  	v1 =	vsel vm7, v52, v1;
	vm5 =	vgt.f32 v2, v5  }
0xaf: {  	v54 =	vld [tilespmem:s15+$0x880];
	vm11 =	vgt.f32 v2, v1;
	v5 =	vsel vm5, v2, v5  }
0xb0: {  	v51 =	vimm.s32 $0x0;
	v5 =	vsel vm11, v1, v5  }
0xb1: {  	v1 =	vsel vm11, v2, v1;
	v2 =	vimm.s32 $0x0;
	vm6 =	vgt.f32 v3, v5  }
0xb2: {  	[tilespmem:$0x1FF40] =	vst v4;
	v2 =	vsel vm6, $0xFFFFFFFF, v2;
	v5 =	vsel vm6, v3, v5;
	vm6 =	vgt.f32 v3, v1  }
0xb3: {  	v4 =	vsel vm4, $0xFFFFFFFF, v51;
	[tilespmem:$0x1FFA0] =	vst v2;
	v2 =	vld [tilespmem:s15+$0x900];
	v5 =	vsel vm6, v1, v5  }
0xb4: {  	v1 =	vsel vm6, v3, v1;
	v3 =	vimm.s32 $0x0;
	vm15 =	vgt.f32 v54, v5  }
0xb5: {  	v53 =	vimm.s32 $0x0;
	[tilespmem:$0x1FF60] =	vst v4;
	v3 =	vsel vm15, $0xFFFFFFFF, v3  }
0xb6: {  	v4 =	vsel vm5, $0xFFFFFFFF, v53;
	vm5 =	vgt.f32 v54, v1;
	v5 =	vsel vm15, v54, v5;
	[tilespmem:$0x1FFB0] =	vst v3;
	v3 =	vld [tilespmem:s15+$0x980]  }
0xb7: {  	v5 =	vsel vm5, v1, v5  }
0xb8: {  	v55 =	vimm.s32 $0x0;
	v1 =	vsel vm5, v54, v1;
	vm4 =	vgt.f32 v2, v5  }
0xb9: {  	v56 =	vld [tilespmem:s15+$0xA00];
	[tilespmem:$0x1FF90] =	vst v4;
	v4 =	vsel vm4, $0xFFFFFFFF, v55;
	v5 =	vsel vm4, v2, v5;
	vm4 =	vgt.f32 v2, v1  }
0xba: {  	v5 =	vsel vm4, v1, v5  }
0xbb: {  	v1 =	vsel vm4, v2, v1;
	v2 =	vimm.s32 $0x0;
	vm15 =	vgt.f32 v3, v5  }
0xbc: {  	v57 =	vld [tilespmem:$0x1FF40];
	vm3 =	vgt.f32 v3, v1;
	v2 =	vsel vm15, $0xFFFFFFFF, v2;
	v5 =	vsel vm15, v3, v5  }
0xbd: {  	[tilespmem:$0x1FFD0] =	vst v2;
	v2 =	vld [tilespmem:s15+$0xA80];
	v5 =	vsel vm3, v1, v5  }
0xbe: {  	v1 =	vsel vm3, v3, v1;
	v3 =	vimm.s32 $0x0;
	vm15 =	vgt.f32 v56, v5  }
0xbf: {  	v3 =	vsel vm15, $0xFFFFFFFF, v3  }
0xc0: {  	vm2 =	vgt.f32 v56, v1;
	v5 =	vsel vm15, v56, v5;
	[tilespmem:$0x1FFE0] =	vst v3;
	v3 =	vld [tilespmem:s15+$0xB00]  }
0xc1: {  	v5 =	vsel vm2, v1, v5  }
0xc2: {  	vm1 =	vnez.u8 v57;
	v1 =	vsel vm2, v56, v1;
	vm15 =	vgt.f32 v2, v5  }
0xc3: {  	vm1 =	vmand vm14, vm1;
	vm14 =	vgt.f32 v2, v1;
	v5 =	vsel vm15, v2, v5  }
0xc4: {  	v7 =	vsel vm1, $0x1, v0;
	v5 =	vsel vm14, v1, v5  }
0xc5: {  	v59 =	vld [tilespmem:$0x1FF50];
	v7 =	vsel vm13, $0x2, v7;
	v1 =	vsel vm14, v2, v1;
	vm13 =	vgt.f32 v3, v5  }
0xc6: {  	v58 =	vld [tilespmem:s15+$0xB80];
	vm1 =	vgt.f32 v3, v1;
	v5 =	vsel vm13, v3, v5  }
0xc7: {  	v5 =	vsel vm1, v1, v5;
	v1 =	vsel vm1, v3, v1;
	v3 =	vld [tilespmem:$0x1FF60];
	_ =	sdelay $0x1  }
0xc8: {  	v6 =	vsel vm12, $0x1, v0  }
0xc9: {  	vm12 =	vnez.u8 v59;
	v61 =	vld [tilespmem:$0x1FF70];
	v2 =	vsel vm0, v6, v7  }
0xca: {  	v6 =	vsel vm0, $0x2, v6;
	v2 =	vsel vm12, $0x3, v2  }
0xcb: {  	v2 =	vsel vm10, v6, v2;
	vm12 =	vgt.f32 v58, v5;
	vm0 =	vnez.u8 v3  }
0xcc: {  	v62 =	vld [tilespmem:$0x1FF80];
	v3 =	vsel vm12, v58, v5;
	v2 =	vsel vm0, $0x4, v2;
	vm0 =	vgt.f32 v58, v1  }
0xcd: {  	[tilespmem:$0x1FFC0] =	vst v4;
	v60 =	vsel vm10, $0x3, v6;
	v4 =	vsel vm0, v58, v1;
	v1 =	vsel vm0, v1, v3  }
0xce: {  	v2 =	vsel vm9, v60, v2;
	v3 =	vsel vm9, $0x4, v60;
	vm9 =	vnez.u8 v61  }
0xcf: {  	v1 =	vsub.f32 v1, v4;
	v2 =	vsel vm9, $0x5, v2  }
0xd0: {  	v2 =	vsel vm8, v3, v2  }
0xd1: {  	v3 =	vsel vm8, $0x5, v3;
	vm8 =	vnez.u8 v62;
	v1 =	vmul.f32 $1.442695020e+00, v1  }
0xd2: {  	v2 =	vsel vm8, $0x6, v2  }
0xd3: {  	(erf) = vpow2.f32 v1;
	v1 =	vsel vm7, v3, v2;
	v2 =	vsel vm7, $0x6, v3;
	v3 =	vld [tilespmem:$0x1FF90];
	_ =	sdelay $0x4  }
0xd4: {  	vm9 =	vnez.u8 v3;
	v3 =	vld [tilespmem:$0x1FFA0];
	_ =	sdelay $0x4  }
0xd5: {  	vm10 =	vnez.u8 v3;
	v3 =	vld [tilespmem:$0x1FFB0];
	_ =	sdelay $0x3  }
0xd6: {  	v1 =	vsel vm9, $0x7, v1  }
0xd7: {  	v1 =	vsel vm11, v2, v1;
	v2 =	vsel vm11, $0x7, v2;
	vm11 =	vnez.u8 v3;
	v3 =	vld [tilespmem:$0x1FFC0];
	_ =	sdelay $0x4  }
0xd8: {  	v1 =	vsel vm10, $0x8, v1;
	vm9 =	vnez.u8 v3;
	v3 =	vld [tilespmem:$0x1FFD0]  }
0xd9: {  	v1 =	vsel vm6, v2, v1  }
0xda: {  	v63 =	vld [tilespmem:$0x1FFE0];
	v2 =	vsel vm6, $0x8, v2;
	v1 =	vsel vm11, $0x9, v1  }
0xdb: {  	v1 =	vsel vm5, v2, v1  }
0xdc: {  	v2 =	vsel vm5, $0x9, v2;
	v1 =	vsel vm9, $0xA, v1  }
0xdd: {  	v1 =	vsel vm4, v2, v1;
	vm10 =	vnez.u8 v3  }
0xde: {  	v2 =	vsel vm4, $0xA, v2;
	v1 =	vsel vm10, $0xB, v1  }
0xdf: {  	vm11 =	vnez.u8 v63;
	v1 =	vsel vm3, v2, v1  }
0xe0: {  	v3 =	vpop (erf);
	v2 =	vsel vm3, $0xB, v2;
	v1 =	vsel vm11, $0xC, v1  }
0xe1: {  	v3 =	vadd.f32 $1.000000000e+00, v3;
	v1 =	vsel vm2, v2, v1  }
0xe2: {  	v2 =	vsel vm2, $0xC, v2;
	v1 =	vsel vm15, $0xD, v1  }
0xe3: {  	(erf) = vrcp.f32 v3;
	v1 =	vsel vm14, v2, v1  }
0xe4: {  	v2 =	vsel vm14, $0xD, v2;
	v1 =	vsel vm13, $0xE, v1  }
0xe5: {  	v1 =	vsel vm1, v2, v1  }
0xe6: {  	v2 =	vsel vm1, $0xE, v2;
	v1 =	vsel vm12, $0xF, v1  }
0xe7: {  	v1 =	vsel vm0, v2, v1  }
0xe8: {  	v2 =	vsel vm0, $0xF, v2;
	v1 =	vshll.u32 v1, $0x4  }
0xe9: {  	v1 =	vor.u32 v2, v1;
	_ =	sdelay $0x2  }
0xea: {  	[tilespmem:s14+$0x0] =	vst v1;
	v1 =	vpop (erf)  }
0xeb: {  	[tilespmem:s13+$0x0] =	vst v1  }
0xec: {  	[hbm4b:s4+s2] =	stream.linear.scatter [tilespmem:s10], [sflag:$0x1], $0x100, $0x38;
	[tilespmem:$0x1200] =	vst v63  }
0xed: {  	s12 =	sadd.s32 $0x1, s12;
	_ =	swait.ge [sflag:s9], $0x100  }
0xee: {  	p0 =	sne.s32 s12, s6;
	[sflag:s9] =	ssyncset.done $0x0  }
.Ltmp1:
0xef: {  	[sflag:s9] =	ssyncadd.s32 $0xFFFFFF00;
	(pc) =	sbr.rel @p0 .LBB2_1-.Ltmp1, $4  }
0xf0: {  	[hbm4b:s5+s2] =	stream.linear.scatter [tilespmem:s11], [sflag:$0x1], $0x100, $0x38;
	[tilespmem:$0x1200] =	vst v63  }
0xf1: {  	_ =	swait.ge [sflag:s9], $0x100  }
0xf2: {  	[sflag:s9] =	ssyncset.done $0x0  }
0xf3: {  	[sflag:s9] =	ssyncadd.s32 $0xFFFFFF00  }
0xf4: {  	_ =	sfence.sel $0x180000  }
0xf5: {  	[bflag:$0x0] =	sbarrier.arrive $0xFFFF  }
0xf6: {  	p0 =	sne.s32 s1, $0x0;
	_ =	strace $0x90000047  }
0xf7: {  	s0 =	sadd.s32 @!p0 $0x100000, s0;
	[bflag:$0x2] =	sbarrier.arrive $0xFFFF  }
0xf8: {  	[sflag:s0] =	ssyncadd.tile.s32 @!p0 $0x1;
	_ =	shalt  }
.Lfunc_end2:
_tile_overlayer_lowered:
.L_overlay_start_2:
0xf9: {  	(tag) =	ssettag $0x2  }
0xfa: {  	s0 =	rddreg [dreg:$0x0];
	s2 =	stileid.u32  }
0xfb: {  	s1 =	rddreg [dreg:$0x1];
	p0 =	sne.s32 s2, $0x0  }
0xfc: {  	s3 =	rddreg [dreg:$0x2];
	[bflag:$0x3] =	sbarrier.arrive $0xFFFF;
	s2 =	simm.s32 @!p0 $0x1C01  }
0xfd: {  	[timem:s3], [sflag:s2] =	dma.local @!p0 [hbm:s0], s1  }
0xfe: {  	s0 =	simm.s32 @!p0 $0x1  }
0xff: {  	_ =	swait.ge @!p0 [sflag:s0], s1  }
0x100: {  	s1 =	ssub.s32 @!p0 $0x0, s1;
	[sflag:s0] =	ssyncset.done @!p0 $0x0  }
0x101: {  	[sflag:s0] =	ssyncadd.s32 @!p0 s1  }
0x102: {  	[bflag:$0x3] =	sbarrier.arrive $0xFFFF  }
0x103: {  	_ =	shalt  }

</sc_bundles>
